<compile_context>
chip_gen: v7x
topology: tpu7x:2x2x1
jax: 0.10.2.dev20260603
libtpu: 0.0.44.dev20260713+nightly
codegen_flags: <defaults>
</compile_context>

<pallas_src>
import functools

import jax
import jax.numpy as jnp
from jax import lax
from jax.experimental import pallas as pl
from jax.experimental.pallas import tpu as pltpu
from jax.experimental.pallas import tpu_sc as plsc

N = 10000
D = 128
E = 320000
NCLS = 40

NC = 2
NS = 16
NW = NC * NS
CH = 128
NCH = 79
NP = NCH * CH
EP = NW * NCH * CH
RPT = NP // NS
TCHK = EP // CH
NCH0 = 105
NCH1 = (TCHK - NS * NCH0) // NS

_sc_mesh = plsc.VectorSubcoreMesh(core_axis_name="c", subcore_axis_name="s")


@functools.partial(
    pl.kernel, mesh=_sc_mesh,
    out_type=jax.ShapeDtypeStruct((NC, NP, D), jnp.float32),
    scratch_types=[
        pltpu.VMEM((NCH, CH), jnp.int32),
        pltpu.VMEM((CH, D), jnp.float32),
        pltpu.VMEM_SHARED((NP, D), jnp.float32),
    ],
)
def _deg_pass(dst_hbm, zeros_hbm, ones_hbm, out_hbm, dst_v, ones_v, acc_sh):
    c = lax.axis_index("c")
    s = lax.axis_index("s")
    wid = s * NC + c
    pltpu.sync_copy(zeros_hbm.at[pl.ds(s * RPT, RPT)], acc_sh.at[pl.ds(s * RPT, RPT)])
    pltpu.sync_copy(dst_hbm.at[wid], dst_v)
    pltpu.sync_copy(ones_hbm, ones_v)
    plsc.subcore_barrier()

    def body(j, carry):
        pltpu.sync_copy(ones_v, acc_sh.at[dst_v.at[j]], add=True)
        return carry

    lax.fori_loop(0, NCH, body, 0)
    plsc.subcore_barrier()
    pltpu.sync_copy(acc_sh.at[pl.ds(s * RPT, RPT)], out_hbm.at[c, pl.ds(s * RPT, RPT)])


@functools.partial(
    pl.kernel, mesh=_sc_mesh,
    out_type=jax.ShapeDtypeStruct((NC, NP, D), jnp.float32),
    scratch_types=[
        pltpu.VMEM((NCH0, CH), jnp.int32),
        pltpu.VMEM((NCH0, CH), jnp.int32),
        pltpu.VMEM((CH, D), jnp.float32),
        pltpu.VMEM_SHARED((NP, D), jnp.float32),
        pltpu.SemaphoreType.DMA,
    ],
)
def _edge_pass(y_hbm, src_hbm, dst_hbm, zeros_hbm, out_hbm,
               src_v, dst_v, rows_v, acc_sh, sem):
    c = lax.axis_index("c")
    s = lax.axis_index("s")
    wid = c * NS + s
    pltpu.sync_copy(zeros_hbm.at[pl.ds(s * RPT, RPT)], acc_sh.at[pl.ds(s * RPT, RPT)])
    pltpu.sync_copy(src_hbm.at[wid], src_v)
    pltpu.sync_copy(dst_hbm.at[wid], dst_v)
    plsc.subcore_barrier()

    def body(j, carry):
        pltpu.async_copy(y_hbm.at[src_v.at[j]], rows_v, sem).wait()
        pltpu.sync_copy(rows_v, acc_sh.at[dst_v.at[j]], add=True)
        return carry

    @pl.when(c == 0)
    def _core0():
        lax.fori_loop(0, NCH0, body, 0)

    @pl.when(c == 1)
    def _core1():
        lax.fori_loop(0, NCH1, body, 0)

    plsc.subcore_barrier()
    pltpu.sync_copy(acc_sh.at[pl.ds(s * RPT, RPT)], out_hbm.at[c, pl.ds(s * RPT, RPT)])


BR = NP // 4


def _t1_body(deg_ref, x_ref, w_ref, y_ref, dinv_ref):
    deg = deg_ref[:, 0:1] + deg_ref[:, 1:2] + 1.0
    dinv = lax.rsqrt(jnp.maximum(deg, 1e-12))
    xw = lax.dot_general(x_ref[...], w_ref[...], (((1,), (0,)), ((), ())),
                         preferred_element_type=jnp.float32)
    y_ref[...] = xw * dinv
    dinv_ref[...] = dinv


def _t2_body(acc_ref, y_ref, dinv_ref, b_ref, w_ref, yn_ref):
    p = acc_ref[0] + acc_ref[1]
    h = jnp.maximum(dinv_ref[...] * (p + y_ref[...]) + b_ref[...], 0.0)
    hw = lax.dot_general(h, w_ref[...], (((1,), (0,)), ((), ())),
                         preferred_element_type=jnp.float32)
    yn_ref[...] = hw * dinv_ref[...]


def _t3_body(acc_ref, y_ref, dinv_ref, b_ref, wf1_ref, bf1_ref, wf2_ref,
             bf2_ref, out_ref):
    p = acc_ref[0] + acc_ref[1]
    h = jnp.maximum(dinv_ref[...] * (p + y_ref[...]) + b_ref[...], 0.0)
    h = jnp.maximum(lax.dot_general(h, wf1_ref[...], (((1,), (0,)), ((), ())),
                                    preferred_element_type=jnp.float32)
                    + bf1_ref[...], 0.0)
    out_ref[...] = lax.dot_general(h, wf2_ref[...], (((1,), (0,)), ((), ())),
                                   preferred_element_type=jnp.float32) + bf2_ref[...]


def _row_spec(shape2):
    return pl.BlockSpec(shape2, lambda i: (i,) + (0,) * (len(shape2) - 1))


def _full_spec(shape):
    return pl.BlockSpec(shape, lambda i: (0,) * len(shape))


_t1 = pl.pallas_call(
    _t1_body,
    grid=(NP // BR,),
    in_specs=[_row_spec((BR, 2)), _row_spec((BR, D)), _full_spec((D, D))],
    out_specs=[_row_spec((BR, D)), _row_spec((BR, 1))],
    out_shape=[jax.ShapeDtypeStruct((NP, D), jnp.float32),
               jax.ShapeDtypeStruct((NP, 1), jnp.float32)],
)

_t2 = pl.pallas_call(
    _t2_body,
    grid=(NP // BR,),
    in_specs=[pl.BlockSpec((NC, BR, D), lambda i: (0, i, 0)),
              _row_spec((BR, D)), _row_spec((BR, 1)),
              _full_spec((1, D)), _full_spec((D, D))],
    out_specs=_row_spec((BR, D)),
    out_shape=jax.ShapeDtypeStruct((NP, D), jnp.float32),
)

_t3 = pl.pallas_call(
    _t3_body,
    grid=(NP // BR,),
    in_specs=[pl.BlockSpec((NC, BR, D), lambda i: (0, i, 0)),
              _row_spec((BR, D)), _row_spec((BR, 1)),
              _full_spec((1, D)), _full_spec((D, D)), _full_spec((1, D)),
              _full_spec((D, NCLS)), _full_spec((1, NCLS))],
    out_specs=_row_spec((BR, NCLS)),
    out_shape=jax.ShapeDtypeStruct((NP, NCLS), jnp.float32),
)


def kernel(x, edge_index, batch, W1, b1, W2, b2, W3, b3, Wf1, bf1, Wf2, bf2):
    src = edge_index[0]
    dst = edge_index[1]
    npad = EP - E
    src_p = jnp.concatenate([src, jnp.zeros((npad,), jnp.int32)])
    dst_p = jnp.concatenate(
        [dst, N + (jnp.arange(npad, dtype=jnp.int32) % (NP - N))])
    src3 = src_p.reshape(NW, NCH, CH)
    dst3 = dst_p.reshape(NW, NCH, CH)

    def _split(flat):
        chunks = flat.reshape(TCHK, CH)
        a = chunks[:NS * NCH0].reshape(NS, NCH0, CH)
        b = chunks[NS * NCH0:].reshape(NS, NCH1, CH)
        b = jnp.concatenate(
            [b, jnp.zeros((NS, NCH0 - NCH1, CH), jnp.int32)], axis=1)
        return jnp.concatenate([a, b], axis=0)

    src_e = _split(src_p)
    dst_e = _split(dst_p)

    x_p = jnp.concatenate([x, jnp.zeros((NP - N, D), jnp.float32)])
    ones1 = jnp.ones((CH, D), jnp.float32)
    zeros2 = jnp.zeros((NP, D), jnp.float32)

    deg_parts = _deg_pass(dst3, zeros2, ones1)
    deg_t = deg_parts[:, :, 0].T
    y1, dinv = _t1(deg_t, x_p, W1)

    acc1 = _edge_pass(y1, src_e, dst_e, zeros2)
    y2 = _t2(acc1, y1, dinv, b1.reshape(1, D), W2)
    acc2 = _edge_pass(y2, src_e, dst_e, zeros2)
    y3 = _t2(acc2, y2, dinv, b2.reshape(1, D), W3)
    acc3 = _edge_pass(y3, src_e, dst_e, zeros2)
    out = _t3(acc3, y3, dinv, b3.reshape(1, D), Wf1, bf1.reshape(1, D),
              Wf2, bf2.reshape(1, NCLS))
    return out[:N]

# --- scband reference (transcript-rebuilt; emitter-appended) ---
"""Pipeline reference for scband-gcn-3l-13288628814527 (READ-ONLY COPY).

The authoritative reference and input builder live on the scoring server;
editing this copy changes nothing except your own understanding.
"""

import jax, jax.numpy as jnp
import numpy as np

N_NODES = 10000
N_EDGES = 320000
D_NODE = 128
D_HID = 128
N_CLS = 40


def gcn_conv(x, edge_index, W, b):
    n = x.shape[0]
    src = edge_index[0]
    dst = edge_index[1]
    loop = jnp.arange(n, dtype=src.dtype)
    src = jnp.concatenate([src, loop])
    dst = jnp.concatenate([dst, loop])
    deg = jnp.zeros((n,), dtype=x.dtype).at[dst].add(1.0)
    dinv = jax.lax.rsqrt(jnp.maximum(deg, 1e-12))
    norm = dinv[src] * dinv[dst]
    xw = x @ W
    msg = xw[src] * norm[:, None]
    out = jnp.zeros((n, W.shape[1]), dtype=x.dtype).at[dst].add(msg)
    return out + b


def setup_inputs(seed: int = 0) -> dict:
    key = jax.random.key(seed)
    ks = jax.random.split(key, 16)
    x = jax.random.normal(ks[0], (N_NODES, D_NODE), dtype=jnp.float32)
    edge_index = jax.random.randint(ks[1], (2, N_EDGES), 0, N_NODES, dtype=jnp.int64 if jax.config.jax_enable_x64 else jnp.int32).astype(jnp.int32)
    batch = jnp.zeros((N_NODES,), dtype=jnp.int32)
    s1 = 1.0 / np.sqrt(D_NODE)
    s2 = 1.0 / np.sqrt(D_HID)
    W1 = jax.random.uniform(ks[2], (D_NODE, D_HID), minval=-s1, maxval=s1, dtype=jnp.float32)
    b1 = jnp.zeros((D_HID,), dtype=jnp.float32)
    W2 = jax.random.uniform(ks[3], (D_HID, D_HID), minval=-s2, maxval=s2, dtype=jnp.float32)
    b2 = jnp.zeros((D_HID,), dtype=jnp.float32)
    W3 = jax.random.uniform(ks[4], (D_HID, D_HID), minval=-s2, maxval=s2, dtype=jnp.float32)
    b3 = jnp.zeros((D_HID,), dtype=jnp.float32)
    Wf1 = jax.random.uniform(ks[5], (D_HID, D_HID), minval=-s2, maxval=s2, dtype=jnp.float32)
    bf1 = jax.random.uniform(ks[6], (D_HID,), minval=-s2, maxval=s2, dtype=jnp.float32)
    Wf2 = jax.random.uniform(ks[7], (D_HID, N_CLS), minval=-s2, maxval=s2, dtype=jnp.float32)
    bf2 = jax.random.uniform(ks[8], (N_CLS,), minval=-s2, maxval=s2, dtype=jnp.float32)
    return {"x": x, "edge_index": edge_index, "batch": batch,
            "W1": W1, "b1": b1, "W2": W2, "b2": b2, "W3": W3, "b3": b3,
            "Wf1": Wf1, "bf1": bf1, "Wf2": Wf2, "bf2": bf2}


def reference(x, edge_index, batch, W1, b1, W2, b2, W3, b3, Wf1, bf1, Wf2, bf2):
    h = jax.nn.relu(gcn_conv(x, edge_index, W1, b1))
    h = jax.nn.relu(gcn_conv(h, edge_index, W2, b2))
    h = jax.nn.relu(gcn_conv(h, edge_index, W3, b3))
    # readout: IdenticalPool (node-level) -> identity; batch unused
    h = jax.nn.relu(h @ Wf1 + bf1)
    # dropout is identity in eval mode
    out = h @ Wf2 + bf2
    return out

if __name__ == "__main__":
    import jax
    _d = setup_inputs()
    print(jax.jit(kernel)(*tuple(_d.values())))

</pallas_src>

<mosaic_0001>
#map = affine_map<(d0, d1) -> (0, 0, 0)>
#map1 = affine_map<(d0, d1) -> (0, 0)>
module attributes {stable_mosaic.version = 14 : i64} {
  func.func @_deg_pass(%arg0: i32, %arg1: i32, %arg2: memref<32x79x128xi32, #tpu.memory_space<hbm>>, %arg3: memref<10112x128xf32, #tpu.memory_space<hbm>>, %arg4: memref<128x128xf32, #tpu.memory_space<hbm>>, %arg5: memref<2x10112x128xf32, #tpu.memory_space<hbm>>, %arg6: memref<79x128xi32, #tpu.memory_space<vmem>>, %arg7: memref<128x128xf32, #tpu.memory_space<vmem>>, %arg8: memref<10112x128xf32, #tpu.memory_space<vmem_shared>>) attributes {dimension_semantics = [#tpu.dimension_semantics<core_parallel>, #tpu.dimension_semantics<subcore_parallel>], iteration_bounds = array<i64: 2, 16>, scalar_prefetch = 0 : i64, scratch_operands = 3 : i64, tpu.core_type = #tpu.core_type<sc_vector_subcore>, window_params = [{transform_indices = #map}, {transform_indices = #map1}, {transform_indices = #map1}, {transform_indices = #map}]} {
    %mul3A = arith.constant 2 : i32
    %mul3A_0 = arith.muli %arg1, %mul3A : i32
    %add3A = arith.addi %mul3A_0, %arg0 : i32
    %mul3A_1 = arith.constant 632 : i32
    %mul3A_2 = arith.muli %arg1, %mul3A_1 : i32
    %mul3A_3 = arith.constant 632 : i32
    %mul3A_4 = arith.muli %arg1, %mul3A_3 : i32
    "tpu.region"() ({
      %run_scoped3A = tpu.sem_alloc : memref<!tpu.dma_semaphore, #tpu.memory_space<semaphore_mem>>
      %dma_start3A = arith.constant 0 : i32
      %dma_start3A_15 = tpu.memref_slice %arg8[%mul3A_4, %dma_start3A] : memref<10112x128xf32, #tpu.memory_space<vmem_shared>> -> memref<632x128xf32, #tpu.memory_space<vmem_shared>>
      %dma_start3A_16 = arith.constant 0 : i32
      %dma_start3A_17 = tpu.memref_slice %arg3[%mul3A_2, %dma_start3A_16] : memref<10112x128xf32, #tpu.memory_space<hbm>> -> memref<632x128xf32, #tpu.memory_space<hbm>>
      tpu.enqueue_dma source(%dma_start3A_17 : memref<632x128xf32, #tpu.memory_space<hbm>>) target(%dma_start3A_15 : memref<632x128xf32, #tpu.memory_space<vmem_shared>>) target_semaphore(%run_scoped3A : memref<!tpu.dma_semaphore, #tpu.memory_space<semaphore_mem>>)
      %dma_wait3A = arith.constant 0 : i32
      %dma_wait3A_18 = tpu.memref_slice %arg8[%mul3A_4, %dma_wait3A] : memref<10112x128xf32, #tpu.memory_space<vmem_shared>> -> memref<632x128xf32, #tpu.memory_space<vmem_shared>>
      %dma_wait3A_19 = arith.constant 0 : i32
      %dma_wait3A_20 = tpu.memref_slice %arg3[%mul3A_2, %dma_wait3A_19] : memref<10112x128xf32, #tpu.memory_space<hbm>> -> memref<632x128xf32, #tpu.memory_space<hbm>>
      tpu.wait_dma2 semaphore(%run_scoped3A : memref<!tpu.dma_semaphore, #tpu.memory_space<semaphore_mem>>) src(%dma_wait3A_20 : memref<632x128xf32, #tpu.memory_space<hbm>>) dst(%dma_wait3A_18 : memref<632x128xf32, #tpu.memory_space<vmem_shared>>)
      tpu.yield
    }) : () -> ()
    "tpu.region"() ({
      %run_scoped3A = tpu.sem_alloc : memref<!tpu.dma_semaphore, #tpu.memory_space<semaphore_mem>>
      %dma_start3A = arith.constant 0 : i32
      %dma_start3A_15 = arith.constant 0 : i32
      %dma_start3A_16 = tpu.memref_slice %arg2[%add3A, %dma_start3A, %dma_start3A_15] : memref<32x79x128xi32, #tpu.memory_space<hbm>> -> memref<1x79x128xi32, #tpu.memory_space<hbm>>
      %dma_start3A_17 = tpu.memref_squeeze %dma_start3A_16 : memref<1x79x128xi32, #tpu.memory_space<hbm>> -> memref<79x128xi32, #tpu.memory_space<hbm>>
      %dma_start3A_18 = arith.constant 0 : i32
      %dma_start3A_19 = arith.constant 0 : i32
      %dma_start3A_20 = tpu.memref_slice %arg2[%add3A, %dma_start3A_18, %dma_start3A_19] : memref<32x79x128xi32, #tpu.memory_space<hbm>> -> memref<1x79x128xi32, #tpu.memory_space<hbm>>
      %dma_start3A_21 = tpu.memref_squeeze %dma_start3A_20 : memref<1x79x128xi32, #tpu.memory_space<hbm>> -> memref<79x128xi32, #tpu.memory_space<hbm>>
      tpu.enqueue_dma source(%dma_start3A_21 : memref<79x128xi32, #tpu.memory_space<hbm>>) target(%arg6 : memref<79x128xi32, #tpu.memory_space<vmem>>) target_semaphore(%run_scoped3A : memref<!tpu.dma_semaphore, #tpu.memory_space<semaphore_mem>>)
      %dma_wait3A = arith.constant 0 : i32
      %dma_wait3A_22 = arith.constant 0 : i32
      %dma_wait3A_23 = tpu.memref_slice %arg2[%add3A, %dma_wait3A, %dma_wait3A_22] : memref<32x79x128xi32, #tpu.memory_space<hbm>> -> memref<1x79x128xi32, #tpu.memory_space<hbm>>
      %dma_wait3A_24 = tpu.memref_squeeze %dma_wait3A_23 : memref<1x79x128xi32, #tpu.memory_space<hbm>> -> memref<79x128xi32, #tpu.memory_space<hbm>>
      %dma_wait3A_25 = arith.constant 0 : i32
      %dma_wait3A_26 = arith.constant 0 : i32
      %dma_wait3A_27 = tpu.memref_slice %arg2[%add3A, %dma_wait3A_25, %dma_wait3A_26] : memref<32x79x128xi32, #tpu.memory_space<hbm>> -> memref<1x79x128xi32, #tpu.memory_space<hbm>>
      %dma_wait3A_28 = tpu.memref_squeeze %dma_wait3A_27 : memref<1x79x128xi32, #tpu.memory_space<hbm>> -> memref<79x128xi32, #tpu.memory_space<hbm>>
      tpu.wait_dma2 semaphore(%run_scoped3A : memref<!tpu.dma_semaphore, #tpu.memory_space<semaphore_mem>>) src(%dma_wait3A_28 : memref<79x128xi32, #tpu.memory_space<hbm>>) dst(%arg6 : memref<79x128xi32, #tpu.memory_space<vmem>>)
      tpu.yield
    }) : () -> ()
    "tpu.region"() ({
      %run_scoped3A = tpu.sem_alloc : memref<!tpu.dma_semaphore, #tpu.memory_space<semaphore_mem>>
      tpu.enqueue_dma source(%arg4 : memref<128x128xf32, #tpu.memory_space<hbm>>) target(%arg7 : memref<128x128xf32, #tpu.memory_space<vmem>>) target_semaphore(%run_scoped3A : memref<!tpu.dma_semaphore, #tpu.memory_space<semaphore_mem>>)
      tpu.wait_dma2 semaphore(%run_scoped3A : memref<!tpu.dma_semaphore, #tpu.memory_space<semaphore_mem>>) src(%arg4 : memref<128x128xf32, #tpu.memory_space<hbm>>) dst(%arg7 : memref<128x128xf32, #tpu.memory_space<vmem>>)
      tpu.yield
    }) : () -> ()
    %barrier3A = arith.constant 0 : index
    tpu.barrier barrier_id(%barrier3A)
    %scan3A = arith.constant 0 : i32
    %scan3A_5 = arith.constant 0 : i32
    %scan3A_6 = arith.constant 79 : i32
    %scan3A_7 = arith.addi %scan3A_5, %scan3A_6 : i32
    %scan3A_8 = arith.constant 1 : i32
    scf.for %scan3A_15 = %scan3A_5 to %scan3A_7 step %scan3A_8  : i32 {
      "tpu.region"() ({
        %run_scoped3A = tpu.sem_alloc : memref<!tpu.dma_semaphore, #tpu.memory_space<semaphore_mem>>
        %dma_start3A = arith.constant 0 : i32
        %dma_start3A_16 = tpu.memref_slice %arg6[%scan3A_15, %dma_start3A] : memref<79x128xi32, #tpu.memory_space<vmem>> -> memref<1x128xi32, #tpu.memory_space<vmem>>
        %dma_start3A_17 = tpu.memref_squeeze %dma_start3A_16 : memref<1x128xi32, #tpu.memory_space<vmem>> -> memref<128xi32, #tpu.memory_space<vmem>>
        %dma_start3A_18 = arith.constant 0 : i32
        %dma_start3A_19 = arith.constant 0 : i32
        %dma_start3A_20 = tpu.memref_slice %arg8[%dma_start3A_18, %dma_start3A_19] : memref<10112x128xf32, #tpu.memory_space<vmem_shared>> -> memref<10112x128xf32, #tpu.memory_space<vmem_shared>>
        tpu.enqueue_indirect_dma source(%arg7 : memref<128x128xf32, #tpu.memory_space<vmem>>) target(%dma_start3A_20 : memref<10112x128xf32, #tpu.memory_space<vmem_shared>>) offsets(%dma_start3A_17 : memref<128xi32, #tpu.memory_space<vmem>>) semaphore(%run_scoped3A : memref<!tpu.dma_semaphore, #tpu.memory_space<semaphore_mem>>) {add = true}
        %dma_wait3A = arith.constant 0 : i32
        %dma_wait3A_21 = tpu.memref_slice %arg6[%scan3A_15, %dma_wait3A] : memref<79x128xi32, #tpu.memory_space<vmem>> -> memref<1x128xi32, #tpu.memory_space<vmem>>
        %dma_wait3A_22 = tpu.memref_squeeze %dma_wait3A_21 : memref<1x128xi32, #tpu.memory_space<vmem>> -> memref<128xi32, #tpu.memory_space<vmem>>
        %dma_wait3A_23 = arith.constant 0 : i32
        %dma_wait3A_24 = arith.constant 0 : i32
        %dma_wait3A_25 = tpu.memref_slice %arg8[%dma_wait3A_23, %dma_wait3A_24] : memref<10112x128xf32, #tpu.memory_space<vmem_shared>> -> memref<10112x128xf32, #tpu.memory_space<vmem_shared>>
        tpu.wait_indirect_dma semaphore(%run_scoped3A : memref<!tpu.dma_semaphore, #tpu.memory_space<semaphore_mem>>) src(%arg7 : memref<128x128xf32, #tpu.memory_space<vmem>>) dst(%dma_wait3A_25 : memref<10112x128xf32, #tpu.memory_space<vmem_shared>>)
        tpu.yield
      }) : () -> ()
    }
    %scan3A_9 = arith.constant 79 : i32
    %barrier3A_10 = arith.constant 0 : index
    tpu.barrier barrier_id(%barrier3A_10)
    %mul3A_11 = arith.constant 632 : i32
    %mul3A_12 = arith.muli %arg1, %mul3A_11 : i32
    %mul3A_13 = arith.constant 632 : i32
    %mul3A_14 = arith.muli %arg1, %mul3A_13 : i32
    "tpu.region"() ({
      %run_scoped3A = tpu.sem_alloc : memref<!tpu.dma_semaphore, #tpu.memory_space<semaphore_mem>>
      %dma_start3A = arith.constant 0 : i32
      %dma_start3A_15 = tpu.memref_slice %arg5[%arg0, %mul3A_14, %dma_start3A] : memref<2x10112x128xf32, #tpu.memory_space<hbm>> -> memref<1x632x128xf32, #tpu.memory_space<hbm>>
      %dma_start3A_16 = tpu.memref_squeeze %dma_start3A_15 : memref<1x632x128xf32, #tpu.memory_space<hbm>> -> memref<632x128xf32, #tpu.memory_space<hbm>>
      %dma_start3A_17 = arith.constant 0 : i32
      %dma_start3A_18 = tpu.memref_slice %arg8[%mul3A_12, %dma_start3A_17] : memref<10112x128xf32, #tpu.memory_space<vmem_shared>> -> memref<632x128xf32, #tpu.memory_space<vmem_shared>>
      tpu.enqueue_dma source(%dma_start3A_18 : memref<632x128xf32, #tpu.memory_space<vmem_shared>>) target(%dma_start3A_16 : memref<632x128xf32, #tpu.memory_space<hbm>>) target_semaphore(%run_scoped3A : memref<!tpu.dma_semaphore, #tpu.memory_space<semaphore_mem>>)
      %dma_wait3A = arith.constant 0 : i32
      %dma_wait3A_19 = tpu.memref_slice %arg5[%arg0, %mul3A_14, %dma_wait3A] : memref<2x10112x128xf32, #tpu.memory_space<hbm>> -> memref<1x632x128xf32, #tpu.memory_space<hbm>>
      %dma_wait3A_20 = tpu.memref_squeeze %dma_wait3A_19 : memref<1x632x128xf32, #tpu.memory_space<hbm>> -> memref<632x128xf32, #tpu.memory_space<hbm>>
      %dma_wait3A_21 = arith.constant 0 : i32
      %dma_wait3A_22 = tpu.memref_slice %arg8[%mul3A_12, %dma_wait3A_21] : memref<10112x128xf32, #tpu.memory_space<vmem_shared>> -> memref<632x128xf32, #tpu.memory_space<vmem_shared>>
      tpu.wait_dma2 semaphore(%run_scoped3A : memref<!tpu.dma_semaphore, #tpu.memory_space<semaphore_mem>>) src(%dma_wait3A_22 : memref<632x128xf32, #tpu.memory_space<vmem_shared>>) dst(%dma_wait3A_20 : memref<632x128xf32, #tpu.memory_space<hbm>>)
      tpu.yield
    }) : () -> ()
    return
  }
}

#map = affine_map<(d0, d1) -> (0, 0)>
#map1 = affine_map<(d0, d1) -> (0, 0, 0)>
module attributes {stable_mosaic.version = 14 : i64} {
  func.func @_edge_pass(%arg0: i32, %arg1: i32, %arg2: memref<10112x128xf32, #tpu.memory_space<hbm>>, %arg3: memref<32x105x128xi32, #tpu.memory_space<hbm>>, %arg4: memref<32x105x128xi32, #tpu.memory_space<hbm>>, %arg5: memref<10112x128xf32, #tpu.memory_space<hbm>>, %arg6: memref<2x10112x128xf32, #tpu.memory_space<hbm>>, %arg7: memref<105x128xi32, #tpu.memory_space<vmem>>, %arg8: memref<105x128xi32, #tpu.memory_space<vmem>>, %arg9: memref<128x128xf32, #tpu.memory_space<vmem>>, %arg10: memref<10112x128xf32, #tpu.memory_space<vmem_shared>>, %arg11: memref<!tpu.dma_semaphore, #tpu.memory_space<semaphore_mem>>) attributes {dimension_semantics = [#tpu.dimension_semantics<core_parallel>, #tpu.dimension_semantics<subcore_parallel>], iteration_bounds = array<i64: 2, 16>, scalar_prefetch = 0 : i64, scratch_operands = 5 : i64, tpu.core_type = #tpu.core_type<sc_vector_subcore>, window_params = [{transform_indices = #map}, {transform_indices = #map1}, {transform_indices = #map1}, {transform_indices = #map}, {transform_indices = #map1}]} {
    %mul3A = arith.constant 16 : i32
    %mul3A_0 = arith.muli %arg0, %mul3A : i32
    %add3A = arith.addi %mul3A_0, %arg1 : i32
    %mul3A_1 = arith.constant 632 : i32
    %mul3A_2 = arith.muli %arg1, %mul3A_1 : i32
    %mul3A_3 = arith.constant 632 : i32
    %mul3A_4 = arith.muli %arg1, %mul3A_3 : i32
    "tpu.region"() ({
      %run_scoped3A = tpu.sem_alloc : memref<!tpu.dma_semaphore, #tpu.memory_space<semaphore_mem>>
      %dma_start3A = arith.constant 0 : i32
      %dma_start3A_17 = tpu.memref_slice %arg10[%mul3A_4, %dma_start3A] : memref<10112x128xf32, #tpu.memory_space<vmem_shared>> -> memref<632x128xf32, #tpu.memory_space<vmem_shared>>
      %dma_start3A_18 = arith.constant 0 : i32
      %dma_start3A_19 = tpu.memref_slice %arg5[%mul3A_2, %dma_start3A_18] : memref<10112x128xf32, #tpu.memory_space<hbm>> -> memref<632x128xf32, #tpu.memory_space<hbm>>
      tpu.enqueue_dma source(%dma_start3A_19 : memref<632x128xf32, #tpu.memory_space<hbm>>) target(%dma_start3A_17 : memref<632x128xf32, #tpu.memory_space<vmem_shared>>) target_semaphore(%run_scoped3A : memref<!tpu.dma_semaphore, #tpu.memory_space<semaphore_mem>>)
      %dma_wait3A = arith.constant 0 : i32
      %dma_wait3A_20 = tpu.memref_slice %arg10[%mul3A_4, %dma_wait3A] : memref<10112x128xf32, #tpu.memory_space<vmem_shared>> -> memref<632x128xf32, #tpu.memory_space<vmem_shared>>
      %dma_wait3A_21 = arith.constant 0 : i32
      %dma_wait3A_22 = tpu.memref_slice %arg5[%mul3A_2, %dma_wait3A_21] : memref<10112x128xf32, #tpu.memory_space<hbm>> -> memref<632x128xf32, #tpu.memory_space<hbm>>
      tpu.wait_dma2 semaphore(%run_scoped3A : memref<!tpu.dma_semaphore, #tpu.memory_space<semaphore_mem>>) src(%dma_wait3A_22 : memref<632x128xf32, #tpu.memory_space<hbm>>) dst(%dma_wait3A_20 : memref<632x128xf32, #tpu.memory_space<vmem_shared>>)
      tpu.yield
    }) : () -> ()
    "tpu.region"() ({
      %run_scoped3A = tpu.sem_alloc : memref<!tpu.dma_semaphore, #tpu.memory_space<semaphore_mem>>
      %dma_start3A = arith.constant 0 : i32
      %dma_start3A_17 = arith.constant 0 : i32
      %dma_start3A_18 = tpu.memref_slice %arg3[%add3A, %dma_start3A, %dma_start3A_17] : memref<32x105x128xi32, #tpu.memory_space<hbm>> -> memref<1x105x128xi32, #tpu.memory_space<hbm>>
      %dma_start3A_19 = tpu.memref_squeeze %dma_start3A_18 : memref<1x105x128xi32, #tpu.memory_space<hbm>> -> memref<105x128xi32, #tpu.memory_space<hbm>>
      %dma_start3A_20 = arith.constant 0 : i32
      %dma_start3A_21 = arith.constant 0 : i32
      %dma_start3A_22 = tpu.memref_slice %arg3[%add3A, %dma_start3A_20, %dma_start3A_21] : memref<32x105x128xi32, #tpu.memory_space<hbm>> -> memref<1x105x128xi32, #tpu.memory_space<hbm>>
      %dma_start3A_23 = tpu.memref_squeeze %dma_start3A_22 : memref<1x105x128xi32, #tpu.memory_space<hbm>> -> memref<105x128xi32, #tpu.memory_space<hbm>>
      tpu.enqueue_dma source(%dma_start3A_23 : memref<105x128xi32, #tpu.memory_space<hbm>>) target(%arg7 : memref<105x128xi32, #tpu.memory_space<vmem>>) target_semaphore(%run_scoped3A : memref<!tpu.dma_semaphore, #tpu.memory_space<semaphore_mem>>)
      %dma_wait3A = arith.constant 0 : i32
      %dma_wait3A_24 = arith.constant 0 : i32
      %dma_wait3A_25 = tpu.memref_slice %arg3[%add3A, %dma_wait3A, %dma_wait3A_24] : memref<32x105x128xi32, #tpu.memory_space<hbm>> -> memref<1x105x128xi32, #tpu.memory_space<hbm>>
      %dma_wait3A_26 = tpu.memref_squeeze %dma_wait3A_25 : memref<1x105x128xi32, #tpu.memory_space<hbm>> -> memref<105x128xi32, #tpu.memory_space<hbm>>
      %dma_wait3A_27 = arith.constant 0 : i32
      %dma_wait3A_28 = arith.constant 0 : i32
      %dma_wait3A_29 = tpu.memref_slice %arg3[%add3A, %dma_wait3A_27, %dma_wait3A_28] : memref<32x105x128xi32, #tpu.memory_space<hbm>> -> memref<1x105x128xi32, #tpu.memory_space<hbm>>
      %dma_wait3A_30 = tpu.memref_squeeze %dma_wait3A_29 : memref<1x105x128xi32, #tpu.memory_space<hbm>> -> memref<105x128xi32, #tpu.memory_space<hbm>>
      tpu.wait_dma2 semaphore(%run_scoped3A : memref<!tpu.dma_semaphore, #tpu.memory_space<semaphore_mem>>) src(%dma_wait3A_30 : memref<105x128xi32, #tpu.memory_space<hbm>>) dst(%arg7 : memref<105x128xi32, #tpu.memory_space<vmem>>)
      tpu.yield
    }) : () -> ()
    "tpu.region"() ({
      %run_scoped3A = tpu.sem_alloc : memref<!tpu.dma_semaphore, #tpu.memory_space<semaphore_mem>>
      %dma_start3A = arith.constant 0 : i32
      %dma_start3A_17 = arith.constant 0 : i32
      %dma_start3A_18 = tpu.memref_slice %arg4[%add3A, %dma_start3A, %dma_start3A_17] : memref<32x105x128xi32, #tpu.memory_space<hbm>> -> memref<1x105x128xi32, #tpu.memory_space<hbm>>
      %dma_start3A_19 = tpu.memref_squeeze %dma_start3A_18 : memref<1x105x128xi32, #tpu.memory_space<hbm>> -> memref<105x128xi32, #tpu.memory_space<hbm>>
      %dma_start3A_20 = arith.constant 0 : i32
      %dma_start3A_21 = arith.constant 0 : i32
      %dma_start3A_22 = tpu.memref_slice %arg4[%add3A, %dma_start3A_20, %dma_start3A_21] : memref<32x105x128xi32, #tpu.memory_space<hbm>> -> memref<1x105x128xi32, #tpu.memory_space<hbm>>
      %dma_start3A_23 = tpu.memref_squeeze %dma_start3A_22 : memref<1x105x128xi32, #tpu.memory_space<hbm>> -> memref<105x128xi32, #tpu.memory_space<hbm>>
      tpu.enqueue_dma source(%dma_start3A_23 : memref<105x128xi32, #tpu.memory_space<hbm>>) target(%arg8 : memref<105x128xi32, #tpu.memory_space<vmem>>) target_semaphore(%run_scoped3A : memref<!tpu.dma_semaphore, #tpu.memory_space<semaphore_mem>>)
      %dma_wait3A = arith.constant 0 : i32
      %dma_wait3A_24 = arith.constant 0 : i32
      %dma_wait3A_25 = tpu.memref_slice %arg4[%add3A, %dma_wait3A, %dma_wait3A_24] : memref<32x105x128xi32, #tpu.memory_space<hbm>> -> memref<1x105x128xi32, #tpu.memory_space<hbm>>
      %dma_wait3A_26 = tpu.memref_squeeze %dma_wait3A_25 : memref<1x105x128xi32, #tpu.memory_space<hbm>> -> memref<105x128xi32, #tpu.memory_space<hbm>>
      %dma_wait3A_27 = arith.constant 0 : i32
      %dma_wait3A_28 = arith.constant 0 : i32
      %dma_wait3A_29 = tpu.memref_slice %arg4[%add3A, %dma_wait3A_27, %dma_wait3A_28] : memref<32x105x128xi32, #tpu.memory_space<hbm>> -> memref<1x105x128xi32, #tpu.memory_space<hbm>>
      %dma_wait3A_30 = tpu.memref_squeeze %dma_wait3A_29 : memref<1x105x128xi32, #tpu.memory_space<hbm>> -> memref<105x128xi32, #tpu.memory_space<hbm>>
      tpu.wait_dma2 semaphore(%run_scoped3A : memref<!tpu.dma_semaphore, #tpu.memory_space<semaphore_mem>>) src(%dma_wait3A_30 : memref<105x128xi32, #tpu.memory_space<hbm>>) dst(%arg8 : memref<105x128xi32, #tpu.memory_space<vmem>>)
      tpu.yield
    }) : () -> ()
    %barrier3A = arith.constant 0 : index
    tpu.barrier barrier_id(%barrier3A)
    %eq3A = arith.constant 0 : i32
    %eq3A_5 = arith.cmpi eq, %arg0, %eq3A : i32
    %convert_element_type3A = arith.extui %eq3A_5 : i1 to i32
    %cond3A = arith.constant 0 : i32
    %cond3A_6 = arith.cmpi ne, %convert_element_type3A, %cond3A : i32
    scf.if %cond3A_6 {
      %scan3A = arith.constant 0 : i32
      %scan3A_17 = arith.constant 0 : i32
      %scan3A_18 = arith.constant 105 : i32
      %scan3A_19 = arith.addi %scan3A_17, %scan3A_18 : i32
      %scan3A_20 = arith.constant 1 : i32
      scf.for %scan3A_22 = %scan3A_17 to %scan3A_19 step %scan3A_20  : i32 {
        %dma_start3A = arith.constant 0 : i32
        %dma_start3A_23 = tpu.memref_slice %arg7[%scan3A_22, %dma_start3A] : memref<105x128xi32, #tpu.memory_space<vmem>> -> memref<1x128xi32, #tpu.memory_space<vmem>>
        %dma_start3A_24 = tpu.memref_squeeze %dma_start3A_23 : memref<1x128xi32, #tpu.memory_space<vmem>> -> memref<128xi32, #tpu.memory_space<vmem>>
        %dma_start3A_25 = arith.constant 0 : i32
        %dma_start3A_26 = arith.constant 0 : i32
        %dma_start3A_27 = tpu.memref_slice %arg2[%dma_start3A_25, %dma_start3A_26] : memref<10112x128xf32, #tpu.memory_space<hbm>> -> memref<10112x128xf32, #tpu.memory_space<hbm>>
        tpu.enqueue_indirect_dma source(%dma_start3A_27 : memref<10112x128xf32, #tpu.memory_space<hbm>>) target(%arg9 : memref<128x128xf32, #tpu.memory_space<vmem>>) offsets(%dma_start3A_24 : memref<128xi32, #tpu.memory_space<vmem>>) semaphore(%arg11 : memref<!tpu.dma_semaphore, #tpu.memory_space<semaphore_mem>>)
        %dma_wait3A = arith.constant 0 : i32
        %dma_wait3A_28 = tpu.memref_slice %arg7[%scan3A_22, %dma_wait3A] : memref<105x128xi32, #tpu.memory_space<vmem>> -> memref<1x128xi32, #tpu.memory_space<vmem>>
        %dma_wait3A_29 = tpu.memref_squeeze %dma_wait3A_28 : memref<1x128xi32, #tpu.memory_space<vmem>> -> memref<128xi32, #tpu.memory_space<vmem>>
        %dma_wait3A_30 = arith.constant 0 : i32
        %dma_wait3A_31 = arith.constant 0 : i32
        %dma_wait3A_32 = tpu.memref_slice %arg2[%dma_wait3A_30, %dma_wait3A_31] : memref<10112x128xf32, #tpu.memory_space<hbm>> -> memref<10112x128xf32, #tpu.memory_space<hbm>>
        tpu.wait_indirect_dma semaphore(%arg11 : memref<!tpu.dma_semaphore, #tpu.memory_space<semaphore_mem>>) src(%dma_wait3A_32 : memref<10112x128xf32, #tpu.memory_space<hbm>>) dst(%arg9 : memref<128x128xf32, #tpu.memory_space<vmem>>)
        "tpu.region"() ({
          %run_scoped3A = tpu.sem_alloc : memref<!tpu.dma_semaphore, #tpu.memory_space<semaphore_mem>>
          %dma_start3A_33 = arith.constant 0 : i32
          %dma_start3A_34 = tpu.memref_slice %arg8[%scan3A_22, %dma_start3A_33] : memref<105x128xi32, #tpu.memory_space<vmem>> -> memref<1x128xi32, #tpu.memory_space<vmem>>
          %dma_start3A_35 = tpu.memref_squeeze %dma_start3A_34 : memref<1x128xi32, #tpu.memory_space<vmem>> -> memref<128xi32, #tpu.memory_space<vmem>>
          %dma_start3A_36 = arith.constant 0 : i32
          %dma_start3A_37 = arith.constant 0 : i32
          %dma_start3A_38 = tpu.memref_slice %arg10[%dma_start3A_36, %dma_start3A_37] : memref<10112x128xf32, #tpu.memory_space<vmem_shared>> -> memref<10112x128xf32, #tpu.memory_space<vmem_shared>>
          tpu.enqueue_indirect_dma source(%arg9 : memref<128x128xf32, #tpu.memory_space<vmem>>) target(%dma_start3A_38 : memref<10112x128xf32, #tpu.memory_space<vmem_shared>>) offsets(%dma_start3A_35 : memref<128xi32, #tpu.memory_space<vmem>>) semaphore(%run_scoped3A : memref<!tpu.dma_semaphore, #tpu.memory_space<semaphore_mem>>) {add = true}
          %dma_wait3A_39 = arith.constant 0 : i32
          %dma_wait3A_40 = tpu.memref_slice %arg8[%scan3A_22, %dma_wait3A_39] : memref<105x128xi32, #tpu.memory_space<vmem>> -> memref<1x128xi32, #tpu.memory_space<vmem>>
          %dma_wait3A_41 = tpu.memref_squeeze %dma_wait3A_40 : memref<1x128xi32, #tpu.memory_space<vmem>> -> memref<128xi32, #tpu.memory_space<vmem>>
          %dma_wait3A_42 = arith.constant 0 : i32
          %dma_wait3A_43 = arith.constant 0 : i32
          %dma_wait3A_44 = tpu.memref_slice %arg10[%dma_wait3A_42, %dma_wait3A_43] : memref<10112x128xf32, #tpu.memory_space<vmem_shared>> -> memref<10112x128xf32, #tpu.memory_space<vmem_shared>>
          tpu.wait_indirect_dma semaphore(%run_scoped3A : memref<!tpu.dma_semaphore, #tpu.memory_space<semaphore_mem>>) src(%arg9 : memref<128x128xf32, #tpu.memory_space<vmem>>) dst(%dma_wait3A_44 : memref<10112x128xf32, #tpu.memory_space<vmem_shared>>)
          tpu.yield
        }) : () -> ()
      }
      %scan3A_21 = arith.constant 105 : i32
    } else {
    }
    %eq3A_7 = arith.constant 1 : i32
    %eq3A_8 = arith.cmpi eq, %arg0, %eq3A_7 : i32
    %convert_element_type3A_9 = arith.extui %eq3A_8 : i1 to i32
    %cond3A_10 = arith.constant 0 : i32
    %cond3A_11 = arith.cmpi ne, %convert_element_type3A_9, %cond3A_10 : i32
    scf.if %cond3A_11 {
      %scan3A = arith.constant 0 : i32
      %scan3A_17 = arith.constant 0 : i32
      %scan3A_18 = arith.constant 53 : i32
      %scan3A_19 = arith.addi %scan3A_17, %scan3A_18 : i32
      %scan3A_20 = arith.constant 1 : i32
      scf.for %scan3A_22 = %scan3A_17 to %scan3A_19 step %scan3A_20  : i32 {
        %dma_start3A = arith.constant 0 : i32
        %dma_start3A_23 = tpu.memref_slice %arg7[%scan3A_22, %dma_start3A] : memref<105x128xi32, #tpu.memory_space<vmem>> -> memref<1x128xi32, #tpu.memory_space<vmem>>
        %dma_start3A_24 = tpu.memref_squeeze %dma_start3A_23 : memref<1x128xi32, #tpu.memory_space<vmem>> -> memref<128xi32, #tpu.memory_space<vmem>>
        %dma_start3A_25 = arith.constant 0 : i32
        %dma_start3A_26 = arith.constant 0 : i32
        %dma_start3A_27 = tpu.memref_slice %arg2[%dma_start3A_25, %dma_start3A_26] : memref<10112x128xf32, #tpu.memory_space<hbm>> -> memref<10112x128xf32, #tpu.memory_space<hbm>>
        tpu.enqueue_indirect_dma source(%dma_start3A_27 : memref<10112x128xf32, #tpu.memory_space<hbm>>) target(%arg9 : memref<128x128xf32, #tpu.memory_space<vmem>>) offsets(%dma_start3A_24 : memref<128xi32, #tpu.memory_space<vmem>>) semaphore(%arg11 : memref<!tpu.dma_semaphore, #tpu.memory_space<semaphore_mem>>)
        %dma_wait3A = arith.constant 0 : i32
        %dma_wait3A_28 = tpu.memref_slice %arg7[%scan3A_22, %dma_wait3A] : memref<105x128xi32, #tpu.memory_space<vmem>> -> memref<1x128xi32, #tpu.memory_space<vmem>>
        %dma_wait3A_29 = tpu.memref_squeeze %dma_wait3A_28 : memref<1x128xi32, #tpu.memory_space<vmem>> -> memref<128xi32, #tpu.memory_space<vmem>>
        %dma_wait3A_30 = arith.constant 0 : i32
        %dma_wait3A_31 = arith.constant 0 : i32
        %dma_wait3A_32 = tpu.memref_slice %arg2[%dma_wait3A_30, %dma_wait3A_31] : memref<10112x128xf32, #tpu.memory_space<hbm>> -> memref<10112x128xf32, #tpu.memory_space<hbm>>
        tpu.wait_indirect_dma semaphore(%arg11 : memref<!tpu.dma_semaphore, #tpu.memory_space<semaphore_mem>>) src(%dma_wait3A_32 : memref<10112x128xf32, #tpu.memory_space<hbm>>) dst(%arg9 : memref<128x128xf32, #tpu.memory_space<vmem>>)
        "tpu.region"() ({
          %run_scoped3A = tpu.sem_alloc : memref<!tpu.dma_semaphore, #tpu.memory_space<semaphore_mem>>
          %dma_start3A_33 = arith.constant 0 : i32
          %dma_start3A_34 = tpu.memref_slice %arg8[%scan3A_22, %dma_start3A_33] : memref<105x128xi32, #tpu.memory_space<vmem>> -> memref<1x128xi32, #tpu.memory_space<vmem>>
          %dma_start3A_35 = tpu.memref_squeeze %dma_start3A_34 : memref<1x128xi32, #tpu.memory_space<vmem>> -> memref<128xi32, #tpu.memory_space<vmem>>
          %dma_start3A_36 = arith.constant 0 : i32
          %dma_start3A_37 = arith.constant 0 : i32
          %dma_start3A_38 = tpu.memref_slice %arg10[%dma_start3A_36, %dma_start3A_37] : memref<10112x128xf32, #tpu.memory_space<vmem_shared>> -> memref<10112x128xf32, #tpu.memory_space<vmem_shared>>
          tpu.enqueue_indirect_dma source(%arg9 : memref<128x128xf32, #tpu.memory_space<vmem>>) target(%dma_start3A_38 : memref<10112x128xf32, #tpu.memory_space<vmem_shared>>) offsets(%dma_start3A_35 : memref<128xi32, #tpu.memory_space<vmem>>) semaphore(%run_scoped3A : memref<!tpu.dma_semaphore, #tpu.memory_space<semaphore_mem>>) {add = true}
          %dma_wait3A_39 = arith.constant 0 : i32
          %dma_wait3A_40 = tpu.memref_slice %arg8[%scan3A_22, %dma_wait3A_39] : memref<105x128xi32, #tpu.memory_space<vmem>> -> memref<1x128xi32, #tpu.memory_space<vmem>>
          %dma_wait3A_41 = tpu.memref_squeeze %dma_wait3A_40 : memref<1x128xi32, #tpu.memory_space<vmem>> -> memref<128xi32, #tpu.memory_space<vmem>>
          %dma_wait3A_42 = arith.constant 0 : i32
          %dma_wait3A_43 = arith.constant 0 : i32
          %dma_wait3A_44 = tpu.memref_slice %arg10[%dma_wait3A_42, %dma_wait3A_43] : memref<10112x128xf32, #tpu.memory_space<vmem_shared>> -> memref<10112x128xf32, #tpu.memory_space<vmem_shared>>
          tpu.wait_indirect_dma semaphore(%run_scoped3A : memref<!tpu.dma_semaphore, #tpu.memory_space<semaphore_mem>>) src(%arg9 : memref<128x128xf32, #tpu.memory_space<vmem>>) dst(%dma_wait3A_44 : memref<10112x128xf32, #tpu.memory_space<vmem_shared>>)
          tpu.yield
        }) : () -> ()
      }
      %scan3A_21 = arith.constant 53 : i32
    } else {
    }
    %barrier3A_12 = arith.constant 0 : index
    tpu.barrier barrier_id(%barrier3A_12)
    %mul3A_13 = arith.constant 632 : i32
    %mul3A_14 = arith.muli %arg1, %mul3A_13 : i32
    %mul3A_15 = arith.constant 632 : i32
    %mul3A_16 = arith.muli %arg1, %mul3A_15 : i32
    "tpu.region"() ({
      %run_scoped3A = tpu.sem_alloc : memref<!tpu.dma_semaphore, #tpu.memory_space<semaphore_mem>>
      %dma_start3A = arith.constant 0 : i32
      %dma_start3A_17 = tpu.memref_slice %arg6[%arg0, %mul3A_16, %dma_start3A] : memref<2x10112x128xf32, #tpu.memory_space<hbm>> -> memref<1x632x128xf32, #tpu.memory_space<hbm>>
      %dma_start3A_18 = tpu.memref_squeeze %dma_start3A_17 : memref<1x632x128xf32, #tpu.memory_space<hbm>> -> memref<632x128xf32, #tpu.memory_space<hbm>>
      %dma_start3A_19 = arith.constant 0 : i32
      %dma_start3A_20 = tpu.memref_slice %arg10[%mul3A_14, %dma_start3A_19] : memref<10112x128xf32, #tpu.memory_space<vmem_shared>> -> memref<632x128xf32, #tpu.memory_space<vmem_shared>>
      tpu.enqueue_dma source(%dma_start3A_20 : memref<632x128xf32, #tpu.memory_space<vmem_shared>>) target(%dma_start3A_18 : memref<632x128xf32, #tpu.memory_space<hbm>>) target_semaphore(%run_scoped3A : memref<!tpu.dma_semaphore, #tpu.memory_space<semaphore_mem>>)
      %dma_wait3A = arith.constant 0 : i32
      %dma_wait3A_21 = tpu.memref_slice %arg6[%arg0, %mul3A_16, %dma_wait3A] : memref<2x10112x128xf32, #tpu.memory_space<hbm>> -> memref<1x632x128xf32, #tpu.memory_space<hbm>>
      %dma_wait3A_22 = tpu.memref_squeeze %dma_wait3A_21 : memref<1x632x128xf32, #tpu.memory_space<hbm>> -> memref<632x128xf32, #tpu.memory_space<hbm>>
      %dma_wait3A_23 = arith.constant 0 : i32
      %dma_wait3A_24 = tpu.memref_slice %arg10[%mul3A_14, %dma_wait3A_23] : memref<10112x128xf32, #tpu.memory_space<vmem_shared>> -> memref<632x128xf32, #tpu.memory_space<vmem_shared>>
      tpu.wait_dma2 semaphore(%run_scoped3A : memref<!tpu.dma_semaphore, #tpu.memory_space<semaphore_mem>>) src(%dma_wait3A_24 : memref<632x128xf32, #tpu.memory_space<vmem_shared>>) dst(%dma_wait3A_22 : memref<632x128xf32, #tpu.memory_space<hbm>>)
      tpu.yield
    }) : () -> ()
    return
  }
}

#map = affine_map<(d0, d1) -> (0, 0)>
#map1 = affine_map<(d0, d1) -> (0, 0, 0)>
module attributes {stable_mosaic.version = 14 : i64} {
  func.func @_edge_pass(%arg0: i32, %arg1: i32, %arg2: memref<10112x128xf32, #tpu.memory_space<hbm>>, %arg3: memref<32x105x128xi32, #tpu.memory_space<hbm>>, %arg4: memref<32x105x128xi32, #tpu.memory_space<hbm>>, %arg5: memref<10112x128xf32, #tpu.memory_space<hbm>>, %arg6: memref<2x10112x128xf32, #tpu.memory_space<hbm>>, %arg7: memref<105x128xi32, #tpu.memory_space<vmem>>, %arg8: memref<105x128xi32, #tpu.memory_space<vmem>>, %arg9: memref<128x128xf32, #tpu.memory_space<vmem>>, %arg10: memref<10112x128xf32, #tpu.memory_space<vmem_shared>>, %arg11: memref<!tpu.dma_semaphore, #tpu.memory_space<semaphore_mem>>) attributes {dimension_semantics = [#tpu.dimension_semantics<core_parallel>, #tpu.dimension_semantics<subcore_parallel>], iteration_bounds = array<i64: 2, 16>, scalar_prefetch = 0 : i64, scratch_operands = 5 : i64, tpu.core_type = #tpu.core_type<sc_vector_subcore>, window_params = [{transform_indices = #map}, {transform_indices = #map1}, {transform_indices = #map1}, {transform_indices = #map}, {transform_indices = #map1}]} {
    %mul3A = arith.constant 16 : i32
    %mul3A_0 = arith.muli %arg0, %mul3A : i32
    %add3A = arith.addi %mul3A_0, %arg1 : i32
    %mul3A_1 = arith.constant 632 : i32
    %mul3A_2 = arith.muli %arg1, %mul3A_1 : i32
    %mul3A_3 = arith.constant 632 : i32
    %mul3A_4 = arith.muli %arg1, %mul3A_3 : i32
    "tpu.region"() ({
      %run_scoped3A = tpu.sem_alloc : memref<!tpu.dma_semaphore, #tpu.memory_space<semaphore_mem>>
      %dma_start3A = arith.constant 0 : i32
      %dma_start3A_17 = tpu.memref_slice %arg10[%mul3A_4, %dma_start3A] : memref<10112x128xf32, #tpu.memory_space<vmem_shared>> -> memref<632x128xf32, #tpu.memory_space<vmem_shared>>
      %dma_start3A_18 = arith.constant 0 : i32
      %dma_start3A_19 = tpu.memref_slice %arg5[%mul3A_2, %dma_start3A_18] : memref<10112x128xf32, #tpu.memory_space<hbm>> -> memref<632x128xf32, #tpu.memory_space<hbm>>
      tpu.enqueue_dma source(%dma_start3A_19 : memref<632x128xf32, #tpu.memory_space<hbm>>) target(%dma_start3A_17 : memref<632x128xf32, #tpu.memory_space<vmem_shared>>) target_semaphore(%run_scoped3A : memref<!tpu.dma_semaphore, #tpu.memory_space<semaphore_mem>>)
      %dma_wait3A = arith.constant 0 : i32
      %dma_wait3A_20 = tpu.memref_slice %arg10[%mul3A_4, %dma_wait3A] : memref<10112x128xf32, #tpu.memory_space<vmem_shared>> -> memref<632x128xf32, #tpu.memory_space<vmem_shared>>
      %dma_wait3A_21 = arith.constant 0 : i32
      %dma_wait3A_22 = tpu.memref_slice %arg5[%mul3A_2, %dma_wait3A_21] : memref<10112x128xf32, #tpu.memory_space<hbm>> -> memref<632x128xf32, #tpu.memory_space<hbm>>
      tpu.wait_dma2 semaphore(%run_scoped3A : memref<!tpu.dma_semaphore, #tpu.memory_space<semaphore_mem>>) src(%dma_wait3A_22 : memref<632x128xf32, #tpu.memory_space<hbm>>) dst(%dma_wait3A_20 : memref<632x128xf32, #tpu.memory_space<vmem_shared>>)
      tpu.yield
    }) : () -> ()
    "tpu.region"() ({
      %run_scoped3A = tpu.sem_alloc : memref<!tpu.dma_semaphore, #tpu.memory_space<semaphore_mem>>
      %dma_start3A = arith.constant 0 : i32
      %dma_start3A_17 = arith.constant 0 : i32
      %dma_start3A_18 = tpu.memref_slice %arg3[%add3A, %dma_start3A, %dma_start3A_17] : memref<32x105x128xi32, #tpu.memory_space<hbm>> -> memref<1x105x128xi32, #tpu.memory_space<hbm>>
      %dma_start3A_19 = tpu.memref_squeeze %dma_start3A_18 : memref<1x105x128xi32, #tpu.memory_space<hbm>> -> memref<105x128xi32, #tpu.memory_space<hbm>>
      %dma_start3A_20 = arith.constant 0 : i32
      %dma_start3A_21 = arith.constant 0 : i32
      %dma_start3A_22 = tpu.memref_slice %arg3[%add3A, %dma_start3A_20, %dma_start3A_21] : memref<32x105x128xi32, #tpu.memory_space<hbm>> -> memref<1x105x128xi32, #tpu.memory_space<hbm>>
      %dma_start3A_23 = tpu.memref_squeeze %dma_start3A_22 : memref<1x105x128xi32, #tpu.memory_space<hbm>> -> memref<105x128xi32, #tpu.memory_space<hbm>>
      tpu.enqueue_dma source(%dma_start3A_23 : memref<105x128xi32, #tpu.memory_space<hbm>>) target(%arg7 : memref<105x128xi32, #tpu.memory_space<vmem>>) target_semaphore(%run_scoped3A : memref<!tpu.dma_semaphore, #tpu.memory_space<semaphore_mem>>)
      %dma_wait3A = arith.constant 0 : i32
      %dma_wait3A_24 = arith.constant 0 : i32
      %dma_wait3A_25 = tpu.memref_slice %arg3[%add3A, %dma_wait3A, %dma_wait3A_24] : memref<32x105x128xi32, #tpu.memory_space<hbm>> -> memref<1x105x128xi32, #tpu.memory_space<hbm>>
      %dma_wait3A_26 = tpu.memref_squeeze %dma_wait3A_25 : memref<1x105x128xi32, #tpu.memory_space<hbm>> -> memref<105x128xi32, #tpu.memory_space<hbm>>
      %dma_wait3A_27 = arith.constant 0 : i32
      %dma_wait3A_28 = arith.constant 0 : i32
      %dma_wait3A_29 = tpu.memref_slice %arg3[%add3A, %dma_wait3A_27, %dma_wait3A_28] : memref<32x105x128xi32, #tpu.memory_space<hbm>> -> memref<1x105x128xi32, #tpu.memory_space<hbm>>
      %dma_wait3A_30 = tpu.memref_squeeze %dma_wait3A_29 : memref<1x105x128xi32, #tpu.memory_space<hbm>> -> memref<105x128xi32, #tpu.memory_space<hbm>>
      tpu.wait_dma2 semaphore(%run_scoped3A : memref<!tpu.dma_semaphore, #tpu.memory_space<semaphore_mem>>) src(%dma_wait3A_30 : memref<105x128xi32, #tpu.memory_space<hbm>>) dst(%arg7 : memref<105x128xi32, #tpu.memory_space<vmem>>)
      tpu.yield
    }) : () -> ()
    "tpu.region"() ({
      %run_scoped3A = tpu.sem_alloc : memref<!tpu.dma_semaphore, #tpu.memory_space<semaphore_mem>>
      %dma_start3A = arith.constant 0 : i32
      %dma_start3A_17 = arith.constant 0 : i32
      %dma_start3A_18 = tpu.memref_slice %arg4[%add3A, %dma_start3A, %dma_start3A_17] : memref<32x105x128xi32, #tpu.memory_space<hbm>> -> memref<1x105x128xi32, #tpu.memory_space<hbm>>
      %dma_start3A_19 = tpu.memref_squeeze %dma_start3A_18 : memref<1x105x128xi32, #tpu.memory_space<hbm>> -> memref<105x128xi32, #tpu.memory_space<hbm>>
      %dma_start3A_20 = arith.constant 0 : i32
      %dma_start3A_21 = arith.constant 0 : i32
      %dma_start3A_22 = tpu.memref_slice %arg4[%add3A, %dma_start3A_20, %dma_start3A_21] : memref<32x105x128xi32, #tpu.memory_space<hbm>> -> memref<1x105x128xi32, #tpu.memory_space<hbm>>
      %dma_start3A_23 = tpu.memref_squeeze %dma_start3A_22 : memref<1x105x128xi32, #tpu.memory_space<hbm>> -> memref<105x128xi32, #tpu.memory_space<hbm>>
      tpu.enqueue_dma source(%dma_start3A_23 : memref<105x128xi32, #tpu.memory_space<hbm>>) target(%arg8 : memref<105x128xi32, #tpu.memory_space<vmem>>) target_semaphore(%run_scoped3A : memref<!tpu.dma_semaphore, #tpu.memory_space<semaphore_mem>>)
      %dma_wait3A = arith.constant 0 : i32
      %dma_wait3A_24 = arith.constant 0 : i32
      %dma_wait3A_25 = tpu.memref_slice %arg4[%add3A, %dma_wait3A, %dma_wait3A_24] : memref<32x105x128xi32, #tpu.memory_space<hbm>> -> memref<1x105x128xi32, #tpu.memory_space<hbm>>
      %dma_wait3A_26 = tpu.memref_squeeze %dma_wait3A_25 : memref<1x105x128xi32, #tpu.memory_space<hbm>> -> memref<105x128xi32, #tpu.memory_space<hbm>>
      %dma_wait3A_27 = arith.constant 0 : i32
      %dma_wait3A_28 = arith.constant 0 : i32
      %dma_wait3A_29 = tpu.memref_slice %arg4[%add3A, %dma_wait3A_27, %dma_wait3A_28] : memref<32x105x128xi32, #tpu.memory_space<hbm>> -> memref<1x105x128xi32, #tpu.memory_space<hbm>>
      %dma_wait3A_30 = tpu.memref_squeeze %dma_wait3A_29 : memref<1x105x128xi32, #tpu.memory_space<hbm>> -> memref<105x128xi32, #tpu.memory_space<hbm>>
      tpu.wait_dma2 semaphore(%run_scoped3A : memref<!tpu.dma_semaphore, #tpu.memory_space<semaphore_mem>>) src(%dma_wait3A_30 : memref<105x128xi32, #tpu.memory_space<hbm>>) dst(%arg8 : memref<105x128xi32, #tpu.memory_space<vmem>>)
      tpu.yield
    }) : () -> ()
    %barrier3A = arith.constant 0 : index
    tpu.barrier barrier_id(%barrier3A)
    %eq3A = arith.constant 0 : i32
    %eq3A_5 = arith.cmpi eq, %arg0, %eq3A : i32
    %convert_element_type3A = arith.extui %eq3A_5 : i1 to i32
    %cond3A = arith.constant 0 : i32
    %cond3A_6 = arith.cmpi ne, %convert_element_type3A, %cond3A : i32
    scf.if %cond3A_6 {
      %scan3A = arith.constant 0 : i32
      %scan3A_17 = arith.constant 0 : i32
      %scan3A_18 = arith.constant 105 : i32
      %scan3A_19 = arith.addi %scan3A_17, %scan3A_18 : i32
      %scan3A_20 = arith.constant 1 : i32
      scf.for %scan3A_22 = %scan3A_17 to %scan3A_19 step %scan3A_20  : i32 {
        %dma_start3A = arith.constant 0 : i32
        %dma_start3A_23 = tpu.memref_slice %arg7[%scan3A_22, %dma_start3A] : memref<105x128xi32, #tpu.memory_space<vmem>> -> memref<1x128xi32, #tpu.memory_space<vmem>>
        %dma_start3A_24 = tpu.memref_squeeze %dma_start3A_23 : memref<1x128xi32, #tpu.memory_space<vmem>> -> memref<128xi32, #tpu.memory_space<vmem>>
        %dma_start3A_25 = arith.constant 0 : i32
        %dma_start3A_26 = arith.constant 0 : i32
        %dma_start3A_27 = tpu.memref_slice %arg2[%dma_start3A_25, %dma_start3A_26] : memref<10112x128xf32, #tpu.memory_space<hbm>> -> memref<10112x128xf32, #tpu.memory_space<hbm>>
        tpu.enqueue_indirect_dma source(%dma_start3A_27 : memref<10112x128xf32, #tpu.memory_space<hbm>>) target(%arg9 : memref<128x128xf32, #tpu.memory_space<vmem>>) offsets(%dma_start3A_24 : memref<128xi32, #tpu.memory_space<vmem>>) semaphore(%arg11 : memref<!tpu.dma_semaphore, #tpu.memory_space<semaphore_mem>>)
        %dma_wait3A = arith.constant 0 : i32
        %dma_wait3A_28 = tpu.memref_slice %arg7[%scan3A_22, %dma_wait3A] : memref<105x128xi32, #tpu.memory_space<vmem>> -> memref<1x128xi32, #tpu.memory_space<vmem>>
        %dma_wait3A_29 = tpu.memref_squeeze %dma_wait3A_28 : memref<1x128xi32, #tpu.memory_space<vmem>> -> memref<128xi32, #tpu.memory_space<vmem>>
        %dma_wait3A_30 = arith.constant 0 : i32
        %dma_wait3A_31 = arith.constant 0 : i32
        %dma_wait3A_32 = tpu.memref_slice %arg2[%dma_wait3A_30, %dma_wait3A_31] : memref<10112x128xf32, #tpu.memory_space<hbm>> -> memref<10112x128xf32, #tpu.memory_space<hbm>>
        tpu.wait_indirect_dma semaphore(%arg11 : memref<!tpu.dma_semaphore, #tpu.memory_space<semaphore_mem>>) src(%dma_wait3A_32 : memref<10112x128xf32, #tpu.memory_space<hbm>>) dst(%arg9 : memref<128x128xf32, #tpu.memory_space<vmem>>)
        "tpu.region"() ({
          %run_scoped3A = tpu.sem_alloc : memref<!tpu.dma_semaphore, #tpu.memory_space<semaphore_mem>>
          %dma_start3A_33 = arith.constant 0 : i32
          %dma_start3A_34 = tpu.memref_slice %arg8[%scan3A_22, %dma_start3A_33] : memref<105x128xi32, #tpu.memory_space<vmem>> -> memref<1x128xi32, #tpu.memory_space<vmem>>
          %dma_start3A_35 = tpu.memref_squeeze %dma_start3A_34 : memref<1x128xi32, #tpu.memory_space<vmem>> -> memref<128xi32, #tpu.memory_space<vmem>>
          %dma_start3A_36 = arith.constant 0 : i32
          %dma_start3A_37 = arith.constant 0 : i32
          %dma_start3A_38 = tpu.memref_slice %arg10[%dma_start3A_36, %dma_start3A_37] : memref<10112x128xf32, #tpu.memory_space<vmem_shared>> -> memref<10112x128xf32, #tpu.memory_space<vmem_shared>>
          tpu.enqueue_indirect_dma source(%arg9 : memref<128x128xf32, #tpu.memory_space<vmem>>) target(%dma_start3A_38 : memref<10112x128xf32, #tpu.memory_space<vmem_shared>>) offsets(%dma_start3A_35 : memref<128xi32, #tpu.memory_space<vmem>>) semaphore(%run_scoped3A : memref<!tpu.dma_semaphore, #tpu.memory_space<semaphore_mem>>) {add = true}
          %dma_wait3A_39 = arith.constant 0 : i32
          %dma_wait3A_40 = tpu.memref_slice %arg8[%scan3A_22, %dma_wait3A_39] : memref<105x128xi32, #tpu.memory_space<vmem>> -> memref<1x128xi32, #tpu.memory_space<vmem>>
          %dma_wait3A_41 = tpu.memref_squeeze %dma_wait3A_40 : memref<1x128xi32, #tpu.memory_space<vmem>> -> memref<128xi32, #tpu.memory_space<vmem>>
          %dma_wait3A_42 = arith.constant 0 : i32
          %dma_wait3A_43 = arith.constant 0 : i32
          %dma_wait3A_44 = tpu.memref_slice %arg10[%dma_wait3A_42, %dma_wait3A_43] : memref<10112x128xf32, #tpu.memory_space<vmem_shared>> -> memref<10112x128xf32, #tpu.memory_space<vmem_shared>>
          tpu.wait_indirect_dma semaphore(%run_scoped3A : memref<!tpu.dma_semaphore, #tpu.memory_space<semaphore_mem>>) src(%arg9 : memref<128x128xf32, #tpu.memory_space<vmem>>) dst(%dma_wait3A_44 : memref<10112x128xf32, #tpu.memory_space<vmem_shared>>)
          tpu.yield
        }) : () -> ()
      }
      %scan3A_21 = arith.constant 105 : i32
    } else {
    }
    %eq3A_7 = arith.constant 1 : i32
    %eq3A_8 = arith.cmpi eq, %arg0, %eq3A_7 : i32
    %convert_element_type3A_9 = arith.extui %eq3A_8 : i1 to i32
    %cond3A_10 = arith.constant 0 : i32
    %cond3A_11 = arith.cmpi ne, %convert_element_type3A_9, %cond3A_10 : i32
    scf.if %cond3A_11 {
      %scan3A = arith.constant 0 : i32
      %scan3A_17 = arith.constant 0 : i32
      %scan3A_18 = arith.constant 53 : i32
      %scan3A_19 = arith.addi %scan3A_17, %scan3A_18 : i32
      %scan3A_20 = arith.constant 1 : i32
      scf.for %scan3A_22 = %scan3A_17 to %scan3A_19 step %scan3A_20  : i32 {
        %dma_start3A = arith.constant 0 : i32
        %dma_start3A_23 = tpu.memref_slice %arg7[%scan3A_22, %dma_start3A] : memref<105x128xi32, #tpu.memory_space<vmem>> -> memref<1x128xi32, #tpu.memory_space<vmem>>
        %dma_start3A_24 = tpu.memref_squeeze %dma_start3A_23 : memref<1x128xi32, #tpu.memory_space<vmem>> -> memref<128xi32, #tpu.memory_space<vmem>>
        %dma_start3A_25 = arith.constant 0 : i32
        %dma_start3A_26 = arith.constant 0 : i32
        %dma_start3A_27 = tpu.memref_slice %arg2[%dma_start3A_25, %dma_start3A_26] : memref<10112x128xf32, #tpu.memory_space<hbm>> -> memref<10112x128xf32, #tpu.memory_space<hbm>>
        tpu.enqueue_indirect_dma source(%dma_start3A_27 : memref<10112x128xf32, #tpu.memory_space<hbm>>) target(%arg9 : memref<128x128xf32, #tpu.memory_space<vmem>>) offsets(%dma_start3A_24 : memref<128xi32, #tpu.memory_space<vmem>>) semaphore(%arg11 : memref<!tpu.dma_semaphore, #tpu.memory_space<semaphore_mem>>)
        %dma_wait3A = arith.constant 0 : i32
        %dma_wait3A_28 = tpu.memref_slice %arg7[%scan3A_22, %dma_wait3A] : memref<105x128xi32, #tpu.memory_space<vmem>> -> memref<1x128xi32, #tpu.memory_space<vmem>>
        %dma_wait3A_29 = tpu.memref_squeeze %dma_wait3A_28 : memref<1x128xi32, #tpu.memory_space<vmem>> -> memref<128xi32, #tpu.memory_space<vmem>>
        %dma_wait3A_30 = arith.constant 0 : i32
        %dma_wait3A_31 = arith.constant 0 : i32
        %dma_wait3A_32 = tpu.memref_slice %arg2[%dma_wait3A_30, %dma_wait3A_31] : memref<10112x128xf32, #tpu.memory_space<hbm>> -> memref<10112x128xf32, #tpu.memory_space<hbm>>
        tpu.wait_indirect_dma semaphore(%arg11 : memref<!tpu.dma_semaphore, #tpu.memory_space<semaphore_mem>>) src(%dma_wait3A_32 : memref<10112x128xf32, #tpu.memory_space<hbm>>) dst(%arg9 : memref<128x128xf32, #tpu.memory_space<vmem>>)
        "tpu.region"() ({
          %run_scoped3A = tpu.sem_alloc : memref<!tpu.dma_semaphore, #tpu.memory_space<semaphore_mem>>
          %dma_start3A_33 = arith.constant 0 : i32
          %dma_start3A_34 = tpu.memref_slice %arg8[%scan3A_22, %dma_start3A_33] : memref<105x128xi32, #tpu.memory_space<vmem>> -> memref<1x128xi32, #tpu.memory_space<vmem>>
          %dma_start3A_35 = tpu.memref_squeeze %dma_start3A_34 : memref<1x128xi32, #tpu.memory_space<vmem>> -> memref<128xi32, #tpu.memory_space<vmem>>
          %dma_start3A_36 = arith.constant 0 : i32
          %dma_start3A_37 = arith.constant 0 : i32
          %dma_start3A_38 = tpu.memref_slice %arg10[%dma_start3A_36, %dma_start3A_37] : memref<10112x128xf32, #tpu.memory_space<vmem_shared>> -> memref<10112x128xf32, #tpu.memory_space<vmem_shared>>
          tpu.enqueue_indirect_dma source(%arg9 : memref<128x128xf32, #tpu.memory_space<vmem>>) target(%dma_start3A_38 : memref<10112x128xf32, #tpu.memory_space<vmem_shared>>) offsets(%dma_start3A_35 : memref<128xi32, #tpu.memory_space<vmem>>) semaphore(%run_scoped3A : memref<!tpu.dma_semaphore, #tpu.memory_space<semaphore_mem>>) {add = true}
          %dma_wait3A_39 = arith.constant 0 : i32
          %dma_wait3A_40 = tpu.memref_slice %arg8[%scan3A_22, %dma_wait3A_39] : memref<105x128xi32, #tpu.memory_space<vmem>> -> memref<1x128xi32, #tpu.memory_space<vmem>>
          %dma_wait3A_41 = tpu.memref_squeeze %dma_wait3A_40 : memref<1x128xi32, #tpu.memory_space<vmem>> -> memref<128xi32, #tpu.memory_space<vmem>>
          %dma_wait3A_42 = arith.constant 0 : i32
          %dma_wait3A_43 = arith.constant 0 : i32
          %dma_wait3A_44 = tpu.memref_slice %arg10[%dma_wait3A_42, %dma_wait3A_43] : memref<10112x128xf32, #tpu.memory_space<vmem_shared>> -> memref<10112x128xf32, #tpu.memory_space<vmem_shared>>
          tpu.wait_indirect_dma semaphore(%run_scoped3A : memref<!tpu.dma_semaphore, #tpu.memory_space<semaphore_mem>>) src(%arg9 : memref<128x128xf32, #tpu.memory_space<vmem>>) dst(%dma_wait3A_44 : memref<10112x128xf32, #tpu.memory_space<vmem_shared>>)
          tpu.yield
        }) : () -> ()
      }
      %scan3A_21 = arith.constant 53 : i32
    } else {
    }
    %barrier3A_12 = arith.constant 0 : index
    tpu.barrier barrier_id(%barrier3A_12)
    %mul3A_13 = arith.constant 632 : i32
    %mul3A_14 = arith.muli %arg1, %mul3A_13 : i32
    %mul3A_15 = arith.constant 632 : i32
    %mul3A_16 = arith.muli %arg1, %mul3A_15 : i32
    "tpu.region"() ({
      %run_scoped3A = tpu.sem_alloc : memref<!tpu.dma_semaphore, #tpu.memory_space<semaphore_mem>>
      %dma_start3A = arith.constant 0 : i32
      %dma_start3A_17 = tpu.memref_slice %arg6[%arg0, %mul3A_16, %dma_start3A] : memref<2x10112x128xf32, #tpu.memory_space<hbm>> -> memref<1x632x128xf32, #tpu.memory_space<hbm>>
      %dma_start3A_18 = tpu.memref_squeeze %dma_start3A_17 : memref<1x632x128xf32, #tpu.memory_space<hbm>> -> memref<632x128xf32, #tpu.memory_space<hbm>>
      %dma_start3A_19 = arith.constant 0 : i32
      %dma_start3A_20 = tpu.memref_slice %arg10[%mul3A_14, %dma_start3A_19] : memref<10112x128xf32, #tpu.memory_space<vmem_shared>> -> memref<632x128xf32, #tpu.memory_space<vmem_shared>>
      tpu.enqueue_dma source(%dma_start3A_20 : memref<632x128xf32, #tpu.memory_space<vmem_shared>>) target(%dma_start3A_18 : memref<632x128xf32, #tpu.memory_space<hbm>>) target_semaphore(%run_scoped3A : memref<!tpu.dma_semaphore, #tpu.memory_space<semaphore_mem>>)
      %dma_wait3A = arith.constant 0 : i32
      %dma_wait3A_21 = tpu.memref_slice %arg6[%arg0, %mul3A_16, %dma_wait3A] : memref<2x10112x128xf32, #tpu.memory_space<hbm>> -> memref<1x632x128xf32, #tpu.memory_space<hbm>>
      %dma_wait3A_22 = tpu.memref_squeeze %dma_wait3A_21 : memref<1x632x128xf32, #tpu.memory_space<hbm>> -> memref<632x128xf32, #tpu.memory_space<hbm>>
      %dma_wait3A_23 = arith.constant 0 : i32
      %dma_wait3A_24 = tpu.memref_slice %arg10[%mul3A_14, %dma_wait3A_23] : memref<10112x128xf32, #tpu.memory_space<vmem_shared>> -> memref<632x128xf32, #tpu.memory_space<vmem_shared>>
      tpu.wait_dma2 semaphore(%run_scoped3A : memref<!tpu.dma_semaphore, #tpu.memory_space<semaphore_mem>>) src(%dma_wait3A_24 : memref<632x128xf32, #tpu.memory_space<vmem_shared>>) dst(%dma_wait3A_22 : memref<632x128xf32, #tpu.memory_space<hbm>>)
      tpu.yield
    }) : () -> ()
    return
  }
}

#map = affine_map<(d0, d1) -> (0, 0)>
#map1 = affine_map<(d0, d1) -> (0, 0, 0)>
module attributes {stable_mosaic.version = 14 : i64} {
  func.func @_edge_pass(%arg0: i32, %arg1: i32, %arg2: memref<10112x128xf32, #tpu.memory_space<hbm>>, %arg3: memref<32x105x128xi32, #tpu.memory_space<hbm>>, %arg4: memref<32x105x128xi32, #tpu.memory_space<hbm>>, %arg5: memref<10112x128xf32, #tpu.memory_space<hbm>>, %arg6: memref<2x10112x128xf32, #tpu.memory_space<hbm>>, %arg7: memref<105x128xi32, #tpu.memory_space<vmem>>, %arg8: memref<105x128xi32, #tpu.memory_space<vmem>>, %arg9: memref<128x128xf32, #tpu.memory_space<vmem>>, %arg10: memref<10112x128xf32, #tpu.memory_space<vmem_shared>>, %arg11: memref<!tpu.dma_semaphore, #tpu.memory_space<semaphore_mem>>) attributes {dimension_semantics = [#tpu.dimension_semantics<core_parallel>, #tpu.dimension_semantics<subcore_parallel>], iteration_bounds = array<i64: 2, 16>, scalar_prefetch = 0 : i64, scratch_operands = 5 : i64, tpu.core_type = #tpu.core_type<sc_vector_subcore>, window_params = [{transform_indices = #map}, {transform_indices = #map1}, {transform_indices = #map1}, {transform_indices = #map}, {transform_indices = #map1}]} {
    %mul3A = arith.constant 16 : i32
    %mul3A_0 = arith.muli %arg0, %mul3A : i32
    %add3A = arith.addi %mul3A_0, %arg1 : i32
    %mul3A_1 = arith.constant 632 : i32
    %mul3A_2 = arith.muli %arg1, %mul3A_1 : i32
    %mul3A_3 = arith.constant 632 : i32
    %mul3A_4 = arith.muli %arg1, %mul3A_3 : i32
    "tpu.region"() ({
      %run_scoped3A = tpu.sem_alloc : memref<!tpu.dma_semaphore, #tpu.memory_space<semaphore_mem>>
      %dma_start3A = arith.constant 0 : i32
      %dma_start3A_17 = tpu.memref_slice %arg10[%mul3A_4, %dma_start3A] : memref<10112x128xf32, #tpu.memory_space<vmem_shared>> -> memref<632x128xf32, #tpu.memory_space<vmem_shared>>
      %dma_start3A_18 = arith.constant 0 : i32
      %dma_start3A_19 = tpu.memref_slice %arg5[%mul3A_2, %dma_start3A_18] : memref<10112x128xf32, #tpu.memory_space<hbm>> -> memref<632x128xf32, #tpu.memory_space<hbm>>
      tpu.enqueue_dma source(%dma_start3A_19 : memref<632x128xf32, #tpu.memory_space<hbm>>) target(%dma_start3A_17 : memref<632x128xf32, #tpu.memory_space<vmem_shared>>) target_semaphore(%run_scoped3A : memref<!tpu.dma_semaphore, #tpu.memory_space<semaphore_mem>>)
      %dma_wait3A = arith.constant 0 : i32
      %dma_wait3A_20 = tpu.memref_slice %arg10[%mul3A_4, %dma_wait3A] : memref<10112x128xf32, #tpu.memory_space<vmem_shared>> -> memref<632x128xf32, #tpu.memory_space<vmem_shared>>
      %dma_wait3A_21 = arith.constant 0 : i32
      %dma_wait3A_22 = tpu.memref_slice %arg5[%mul3A_2, %dma_wait3A_21] : memref<10112x128xf32, #tpu.memory_space<hbm>> -> memref<632x128xf32, #tpu.memory_space<hbm>>
      tpu.wait_dma2 semaphore(%run_scoped3A : memref<!tpu.dma_semaphore, #tpu.memory_space<semaphore_mem>>) src(%dma_wait3A_22 : memref<632x128xf32, #tpu.memory_space<hbm>>) dst(%dma_wait3A_20 : memref<632x128xf32, #tpu.memory_space<vmem_shared>>)
      tpu.yield
    }) : () -> ()
    "tpu.region"() ({
      %run_scoped3A = tpu.sem_alloc : memref<!tpu.dma_semaphore, #tpu.memory_space<semaphore_mem>>
      %dma_start3A = arith.constant 0 : i32
      %dma_start3A_17 = arith.constant 0 : i32
      %dma_start3A_18 = tpu.memref_slice %arg3[%add3A, %dma_start3A, %dma_start3A_17] : memref<32x105x128xi32, #tpu.memory_space<hbm>> -> memref<1x105x128xi32, #tpu.memory_space<hbm>>
      %dma_start3A_19 = tpu.memref_squeeze %dma_start3A_18 : memref<1x105x128xi32, #tpu.memory_space<hbm>> -> memref<105x128xi32, #tpu.memory_space<hbm>>
      %dma_start3A_20 = arith.constant 0 : i32
      %dma_start3A_21 = arith.constant 0 : i32
      %dma_start3A_22 = tpu.memref_slice %arg3[%add3A, %dma_start3A_20, %dma_start3A_21] : memref<32x105x128xi32, #tpu.memory_space<hbm>> -> memref<1x105x128xi32, #tpu.memory_space<hbm>>
      %dma_start3A_23 = tpu.memref_squeeze %dma_start3A_22 : memref<1x105x128xi32, #tpu.memory_space<hbm>> -> memref<105x128xi32, #tpu.memory_space<hbm>>
      tpu.enqueue_dma source(%dma_start3A_23 : memref<105x128xi32, #tpu.memory_space<hbm>>) target(%arg7 : memref<105x128xi32, #tpu.memory_space<vmem>>) target_semaphore(%run_scoped3A : memref<!tpu.dma_semaphore, #tpu.memory_space<semaphore_mem>>)
      %dma_wait3A = arith.constant 0 : i32
      %dma_wait3A_24 = arith.constant 0 : i32
      %dma_wait3A_25 = tpu.memref_slice %arg3[%add3A, %dma_wait3A, %dma_wait3A_24] : memref<32x105x128xi32, #tpu.memory_space<hbm>> -> memref<1x105x128xi32, #tpu.memory_space<hbm>>
      %dma_wait3A_26 = tpu.memref_squeeze %dma_wait3A_25 : memref<1x105x128xi32, #tpu.memory_space<hbm>> -> memref<105x128xi32, #tpu.memory_space<hbm>>
      %dma_wait3A_27 = arith.constant 0 : i32
      %dma_wait3A_28 = arith.constant 0 : i32
      %dma_wait3A_29 = tpu.memref_slice %arg3[%add3A, %dma_wait3A_27, %dma_wait3A_28] : memref<32x105x128xi32, #tpu.memory_space<hbm>> -> memref<1x105x128xi32, #tpu.memory_space<hbm>>
      %dma_wait3A_30 = tpu.memref_squeeze %dma_wait3A_29 : memref<1x105x128xi32, #tpu.memory_space<hbm>> -> memref<105x128xi32, #tpu.memory_space<hbm>>
      tpu.wait_dma2 semaphore(%run_scoped3A : memref<!tpu.dma_semaphore, #tpu.memory_space<semaphore_mem>>) src(%dma_wait3A_30 : memref<105x128xi32, #tpu.memory_space<hbm>>) dst(%arg7 : memref<105x128xi32, #tpu.memory_space<vmem>>)
      tpu.yield
    }) : () -> ()
    "tpu.region"() ({
      %run_scoped3A = tpu.sem_alloc : memref<!tpu.dma_semaphore, #tpu.memory_space<semaphore_mem>>
      %dma_start3A = arith.constant 0 : i32
      %dma_start3A_17 = arith.constant 0 : i32
      %dma_start3A_18 = tpu.memref_slice %arg4[%add3A, %dma_start3A, %dma_start3A_17] : memref<32x105x128xi32, #tpu.memory_space<hbm>> -> memref<1x105x128xi32, #tpu.memory_space<hbm>>
      %dma_start3A_19 = tpu.memref_squeeze %dma_start3A_18 : memref<1x105x128xi32, #tpu.memory_space<hbm>> -> memref<105x128xi32, #tpu.memory_space<hbm>>
      %dma_start3A_20 = arith.constant 0 : i32
      %dma_start3A_21 = arith.constant 0 : i32
      %dma_start3A_22 = tpu.memref_slice %arg4[%add3A, %dma_start3A_20, %dma_start3A_21] : memref<32x105x128xi32, #tpu.memory_space<hbm>> -> memref<1x105x128xi32, #tpu.memory_space<hbm>>
      %dma_start3A_23 = tpu.memref_squeeze %dma_start3A_22 : memref<1x105x128xi32, #tpu.memory_space<hbm>> -> memref<105x128xi32, #tpu.memory_space<hbm>>
      tpu.enqueue_dma source(%dma_start3A_23 : memref<105x128xi32, #tpu.memory_space<hbm>>) target(%arg8 : memref<105x128xi32, #tpu.memory_space<vmem>>) target_semaphore(%run_scoped3A : memref<!tpu.dma_semaphore, #tpu.memory_space<semaphore_mem>>)
      %dma_wait3A = arith.constant 0 : i32
      %dma_wait3A_24 = arith.constant 0 : i32
      %dma_wait3A_25 = tpu.memref_slice %arg4[%add3A, %dma_wait3A, %dma_wait3A_24] : memref<32x105x128xi32, #tpu.memory_space<hbm>> -> memref<1x105x128xi32, #tpu.memory_space<hbm>>
      %dma_wait3A_26 = tpu.memref_squeeze %dma_wait3A_25 : memref<1x105x128xi32, #tpu.memory_space<hbm>> -> memref<105x128xi32, #tpu.memory_space<hbm>>
      %dma_wait3A_27 = arith.constant 0 : i32
      %dma_wait3A_28 = arith.constant 0 : i32
      %dma_wait3A_29 = tpu.memref_slice %arg4[%add3A, %dma_wait3A_27, %dma_wait3A_28] : memref<32x105x128xi32, #tpu.memory_space<hbm>> -> memref<1x105x128xi32, #tpu.memory_space<hbm>>
      %dma_wait3A_30 = tpu.memref_squeeze %dma_wait3A_29 : memref<1x105x128xi32, #tpu.memory_space<hbm>> -> memref<105x128xi32, #tpu.memory_space<hbm>>
      tpu.wait_dma2 semaphore(%run_scoped3A : memref<!tpu.dma_semaphore, #tpu.memory_space<semaphore_mem>>) src(%dma_wait3A_30 : memref<105x128xi32, #tpu.memory_space<hbm>>) dst(%arg8 : memref<105x128xi32, #tpu.memory_space<vmem>>)
      tpu.yield
    }) : () -> ()
    %barrier3A = arith.constant 0 : index
    tpu.barrier barrier_id(%barrier3A)
    %eq3A = arith.constant 0 : i32
    %eq3A_5 = arith.cmpi eq, %arg0, %eq3A : i32
    %convert_element_type3A = arith.extui %eq3A_5 : i1 to i32
    %cond3A = arith.constant 0 : i32
    %cond3A_6 = arith.cmpi ne, %convert_element_type3A, %cond3A : i32
    scf.if %cond3A_6 {
      %scan3A = arith.constant 0 : i32
      %scan3A_17 = arith.constant 0 : i32
      %scan3A_18 = arith.constant 105 : i32
      %scan3A_19 = arith.addi %scan3A_17, %scan3A_18 : i32
      %scan3A_20 = arith.constant 1 : i32
      scf.for %scan3A_22 = %scan3A_17 to %scan3A_19 step %scan3A_20  : i32 {
        %dma_start3A = arith.constant 0 : i32
        %dma_start3A_23 = tpu.memref_slice %arg7[%scan3A_22, %dma_start3A] : memref<105x128xi32, #tpu.memory_space<vmem>> -> memref<1x128xi32, #tpu.memory_space<vmem>>
        %dma_start3A_24 = tpu.memref_squeeze %dma_start3A_23 : memref<1x128xi32, #tpu.memory_space<vmem>> -> memref<128xi32, #tpu.memory_space<vmem>>
        %dma_start3A_25 = arith.constant 0 : i32
        %dma_start3A_26 = arith.constant 0 : i32
        %dma_start3A_27 = tpu.memref_slice %arg2[%dma_start3A_25, %dma_start3A_26] : memref<10112x128xf32, #tpu.memory_space<hbm>> -> memref<10112x128xf32, #tpu.memory_space<hbm>>
        tpu.enqueue_indirect_dma source(%dma_start3A_27 : memref<10112x128xf32, #tpu.memory_space<hbm>>) target(%arg9 : memref<128x128xf32, #tpu.memory_space<vmem>>) offsets(%dma_start3A_24 : memref<128xi32, #tpu.memory_space<vmem>>) semaphore(%arg11 : memref<!tpu.dma_semaphore, #tpu.memory_space<semaphore_mem>>)
        %dma_wait3A = arith.constant 0 : i32
        %dma_wait3A_28 = tpu.memref_slice %arg7[%scan3A_22, %dma_wait3A] : memref<105x128xi32, #tpu.memory_space<vmem>> -> memref<1x128xi32, #tpu.memory_space<vmem>>
        %dma_wait3A_29 = tpu.memref_squeeze %dma_wait3A_28 : memref<1x128xi32, #tpu.memory_space<vmem>> -> memref<128xi32, #tpu.memory_space<vmem>>
        %dma_wait3A_30 = arith.constant 0 : i32
        %dma_wait3A_31 = arith.constant 0 : i32
        %dma_wait3A_32 = tpu.memref_slice %arg2[%dma_wait3A_30, %dma_wait3A_31] : memref<10112x128xf32, #tpu.memory_space<hbm>> -> memref<10112x128xf32, #tpu.memory_space<hbm>>
        tpu.wait_indirect_dma semaphore(%arg11 : memref<!tpu.dma_semaphore, #tpu.memory_space<semaphore_mem>>) src(%dma_wait3A_32 : memref<10112x128xf32, #tpu.memory_space<hbm>>) dst(%arg9 : memref<128x128xf32, #tpu.memory_space<vmem>>)
        "tpu.region"() ({
          %run_scoped3A = tpu.sem_alloc : memref<!tpu.dma_semaphore, #tpu.memory_space<semaphore_mem>>
          %dma_start3A_33 = arith.constant 0 : i32
          %dma_start3A_34 = tpu.memref_slice %arg8[%scan3A_22, %dma_start3A_33] : memref<105x128xi32, #tpu.memory_space<vmem>> -> memref<1x128xi32, #tpu.memory_space<vmem>>
          %dma_start3A_35 = tpu.memref_squeeze %dma_start3A_34 : memref<1x128xi32, #tpu.memory_space<vmem>> -> memref<128xi32, #tpu.memory_space<vmem>>
          %dma_start3A_36 = arith.constant 0 : i32
          %dma_start3A_37 = arith.constant 0 : i32
          %dma_start3A_38 = tpu.memref_slice %arg10[%dma_start3A_36, %dma_start3A_37] : memref<10112x128xf32, #tpu.memory_space<vmem_shared>> -> memref<10112x128xf32, #tpu.memory_space<vmem_shared>>
          tpu.enqueue_indirect_dma source(%arg9 : memref<128x128xf32, #tpu.memory_space<vmem>>) target(%dma_start3A_38 : memref<10112x128xf32, #tpu.memory_space<vmem_shared>>) offsets(%dma_start3A_35 : memref<128xi32, #tpu.memory_space<vmem>>) semaphore(%run_scoped3A : memref<!tpu.dma_semaphore, #tpu.memory_space<semaphore_mem>>) {add = true}
          %dma_wait3A_39 = arith.constant 0 : i32
          %dma_wait3A_40 = tpu.memref_slice %arg8[%scan3A_22, %dma_wait3A_39] : memref<105x128xi32, #tpu.memory_space<vmem>> -> memref<1x128xi32, #tpu.memory_space<vmem>>
          %dma_wait3A_41 = tpu.memref_squeeze %dma_wait3A_40 : memref<1x128xi32, #tpu.memory_space<vmem>> -> memref<128xi32, #tpu.memory_space<vmem>>
          %dma_wait3A_42 = arith.constant 0 : i32
          %dma_wait3A_43 = arith.constant 0 : i32
          %dma_wait3A_44 = tpu.memref_slice %arg10[%dma_wait3A_42, %dma_wait3A_43] : memref<10112x128xf32, #tpu.memory_space<vmem_shared>> -> memref<10112x128xf32, #tpu.memory_space<vmem_shared>>
          tpu.wait_indirect_dma semaphore(%run_scoped3A : memref<!tpu.dma_semaphore, #tpu.memory_space<semaphore_mem>>) src(%arg9 : memref<128x128xf32, #tpu.memory_space<vmem>>) dst(%dma_wait3A_44 : memref<10112x128xf32, #tpu.memory_space<vmem_shared>>)
          tpu.yield
        }) : () -> ()
      }
      %scan3A_21 = arith.constant 105 : i32
    } else {
    }
    %eq3A_7 = arith.constant 1 : i32
    %eq3A_8 = arith.cmpi eq, %arg0, %eq3A_7 : i32
    %convert_element_type3A_9 = arith.extui %eq3A_8 : i1 to i32
    %cond3A_10 = arith.constant 0 : i32
    %cond3A_11 = arith.cmpi ne, %convert_element_type3A_9, %cond3A_10 : i32
    scf.if %cond3A_11 {
      %scan3A = arith.constant 0 : i32
      %scan3A_17 = arith.constant 0 : i32
      %scan3A_18 = arith.constant 53 : i32
      %scan3A_19 = arith.addi %scan3A_17, %scan3A_18 : i32
      %scan3A_20 = arith.constant 1 : i32
      scf.for %scan3A_22 = %scan3A_17 to %scan3A_19 step %scan3A_20  : i32 {
        %dma_start3A = arith.constant 0 : i32
        %dma_start3A_23 = tpu.memref_slice %arg7[%scan3A_22, %dma_start3A] : memref<105x128xi32, #tpu.memory_space<vmem>> -> memref<1x128xi32, #tpu.memory_space<vmem>>
        %dma_start3A_24 = tpu.memref_squeeze %dma_start3A_23 : memref<1x128xi32, #tpu.memory_space<vmem>> -> memref<128xi32, #tpu.memory_space<vmem>>
        %dma_start3A_25 = arith.constant 0 : i32
        %dma_start3A_26 = arith.constant 0 : i32
        %dma_start3A_27 = tpu.memref_slice %arg2[%dma_start3A_25, %dma_start3A_26] : memref<10112x128xf32, #tpu.memory_space<hbm>> -> memref<10112x128xf32, #tpu.memory_space<hbm>>
        tpu.enqueue_indirect_dma source(%dma_start3A_27 : memref<10112x128xf32, #tpu.memory_space<hbm>>) target(%arg9 : memref<128x128xf32, #tpu.memory_space<vmem>>) offsets(%dma_start3A_24 : memref<128xi32, #tpu.memory_space<vmem>>) semaphore(%arg11 : memref<!tpu.dma_semaphore, #tpu.memory_space<semaphore_mem>>)
        %dma_wait3A = arith.constant 0 : i32
        %dma_wait3A_28 = tpu.memref_slice %arg7[%scan3A_22, %dma_wait3A] : memref<105x128xi32, #tpu.memory_space<vmem>> -> memref<1x128xi32, #tpu.memory_space<vmem>>
        %dma_wait3A_29 = tpu.memref_squeeze %dma_wait3A_28 : memref<1x128xi32, #tpu.memory_space<vmem>> -> memref<128xi32, #tpu.memory_space<vmem>>
        %dma_wait3A_30 = arith.constant 0 : i32
        %dma_wait3A_31 = arith.constant 0 : i32
        %dma_wait3A_32 = tpu.memref_slice %arg2[%dma_wait3A_30, %dma_wait3A_31] : memref<10112x128xf32, #tpu.memory_space<hbm>> -> memref<10112x128xf32, #tpu.memory_space<hbm>>
        tpu.wait_indirect_dma semaphore(%arg11 : memref<!tpu.dma_semaphore, #tpu.memory_space<semaphore_mem>>) src(%dma_wait3A_32 : memref<10112x128xf32, #tpu.memory_space<hbm>>) dst(%arg9 : memref<128x128xf32, #tpu.memory_space<vmem>>)
        "tpu.region"() ({
          %run_scoped3A = tpu.sem_alloc : memref<!tpu.dma_semaphore, #tpu.memory_space<semaphore_mem>>
          %dma_start3A_33 = arith.constant 0 : i32
          %dma_start3A_34 = tpu.memref_slice %arg8[%scan3A_22, %dma_start3A_33] : memref<105x128xi32, #tpu.memory_space<vmem>> -> memref<1x128xi32, #tpu.memory_space<vmem>>
          %dma_start3A_35 = tpu.memref_squeeze %dma_start3A_34 : memref<1x128xi32, #tpu.memory_space<vmem>> -> memref<128xi32, #tpu.memory_space<vmem>>
          %dma_start3A_36 = arith.constant 0 : i32
          %dma_start3A_37 = arith.constant 0 : i32
          %dma_start3A_38 = tpu.memref_slice %arg10[%dma_start3A_36, %dma_start3A_37] : memref<10112x128xf32, #tpu.memory_space<vmem_shared>> -> memref<10112x128xf32, #tpu.memory_space<vmem_shared>>
          tpu.enqueue_indirect_dma source(%arg9 : memref<128x128xf32, #tpu.memory_space<vmem>>) target(%dma_start3A_38 : memref<10112x128xf32, #tpu.memory_space<vmem_shared>>) offsets(%dma_start3A_35 : memref<128xi32, #tpu.memory_space<vmem>>) semaphore(%run_scoped3A : memref<!tpu.dma_semaphore, #tpu.memory_space<semaphore_mem>>) {add = true}
          %dma_wait3A_39 = arith.constant 0 : i32
          %dma_wait3A_40 = tpu.memref_slice %arg8[%scan3A_22, %dma_wait3A_39] : memref<105x128xi32, #tpu.memory_space<vmem>> -> memref<1x128xi32, #tpu.memory_space<vmem>>
          %dma_wait3A_41 = tpu.memref_squeeze %dma_wait3A_40 : memref<1x128xi32, #tpu.memory_space<vmem>> -> memref<128xi32, #tpu.memory_space<vmem>>
          %dma_wait3A_42 = arith.constant 0 : i32
          %dma_wait3A_43 = arith.constant 0 : i32
          %dma_wait3A_44 = tpu.memref_slice %arg10[%dma_wait3A_42, %dma_wait3A_43] : memref<10112x128xf32, #tpu.memory_space<vmem_shared>> -> memref<10112x128xf32, #tpu.memory_space<vmem_shared>>
          tpu.wait_indirect_dma semaphore(%run_scoped3A : memref<!tpu.dma_semaphore, #tpu.memory_space<semaphore_mem>>) src(%arg9 : memref<128x128xf32, #tpu.memory_space<vmem>>) dst(%dma_wait3A_44 : memref<10112x128xf32, #tpu.memory_space<vmem_shared>>)
          tpu.yield
        }) : () -> ()
      }
      %scan3A_21 = arith.constant 53 : i32
    } else {
    }
    %barrier3A_12 = arith.constant 0 : index
    tpu.barrier barrier_id(%barrier3A_12)
    %mul3A_13 = arith.constant 632 : i32
    %mul3A_14 = arith.muli %arg1, %mul3A_13 : i32
    %mul3A_15 = arith.constant 632 : i32
    %mul3A_16 = arith.muli %arg1, %mul3A_15 : i32
    "tpu.region"() ({
      %run_scoped3A = tpu.sem_alloc : memref<!tpu.dma_semaphore, #tpu.memory_space<semaphore_mem>>
      %dma_start3A = arith.constant 0 : i32
      %dma_start3A_17 = tpu.memref_slice %arg6[%arg0, %mul3A_16, %dma_start3A] : memref<2x10112x128xf32, #tpu.memory_space<hbm>> -> memref<1x632x128xf32, #tpu.memory_space<hbm>>
      %dma_start3A_18 = tpu.memref_squeeze %dma_start3A_17 : memref<1x632x128xf32, #tpu.memory_space<hbm>> -> memref<632x128xf32, #tpu.memory_space<hbm>>
      %dma_start3A_19 = arith.constant 0 : i32
      %dma_start3A_20 = tpu.memref_slice %arg10[%mul3A_14, %dma_start3A_19] : memref<10112x128xf32, #tpu.memory_space<vmem_shared>> -> memref<632x128xf32, #tpu.memory_space<vmem_shared>>
      tpu.enqueue_dma source(%dma_start3A_20 : memref<632x128xf32, #tpu.memory_space<vmem_shared>>) target(%dma_start3A_18 : memref<632x128xf32, #tpu.memory_space<hbm>>) target_semaphore(%run_scoped3A : memref<!tpu.dma_semaphore, #tpu.memory_space<semaphore_mem>>)
      %dma_wait3A = arith.constant 0 : i32
      %dma_wait3A_21 = tpu.memref_slice %arg6[%arg0, %mul3A_16, %dma_wait3A] : memref<2x10112x128xf32, #tpu.memory_space<hbm>> -> memref<1x632x128xf32, #tpu.memory_space<hbm>>
      %dma_wait3A_22 = tpu.memref_squeeze %dma_wait3A_21 : memref<1x632x128xf32, #tpu.memory_space<hbm>> -> memref<632x128xf32, #tpu.memory_space<hbm>>
      %dma_wait3A_23 = arith.constant 0 : i32
      %dma_wait3A_24 = tpu.memref_slice %arg10[%mul3A_14, %dma_wait3A_23] : memref<10112x128xf32, #tpu.memory_space<vmem_shared>> -> memref<632x128xf32, #tpu.memory_space<vmem_shared>>
      tpu.wait_dma2 semaphore(%run_scoped3A : memref<!tpu.dma_semaphore, #tpu.memory_space<semaphore_mem>>) src(%dma_wait3A_24 : memref<632x128xf32, #tpu.memory_space<vmem_shared>>) dst(%dma_wait3A_22 : memref<632x128xf32, #tpu.memory_space<hbm>>)
      tpu.yield
    }) : () -> ()
    return
  }
}

module attributes {stable_mosaic.version = 14 : i64} {
  func.func @_t1_body(%arg0: i32, %arg1: memref<2528x2xf32, #tpu.memory_space<vmem>>, %arg2: memref<2528x128xf32, #tpu.memory_space<vmem>>, %arg3: memref<128x128xf32, #tpu.memory_space<vmem>>, %arg4: memref<2528x128xf32, #tpu.memory_space<vmem>>, %arg5: memref<2528x1xf32, #tpu.memory_space<vmem>>) attributes {dimension_semantics = [#tpu.dimension_semantics<arbitrary>], iteration_bounds = array<i64: 4>, scalar_prefetch = 0 : i64, scratch_operands = 0 : i64, tpu.core_type = #tpu.core_type<tc>, window_params = [{transform_indices = @transform_0, window_bounds = array<i64: 2528, 2>}, {transform_indices = @transform_1, window_bounds = array<i64: 2528, 128>}, {pipeline_mode = #tpu.pipeline_mode<synchronous>, transform_indices = @transform_2, window_bounds = array<i64: 128, 128>}, {transform_indices = @transform_3, window_bounds = array<i64: 2528, 128>}, {transform_indices = @transform_4, window_bounds = array<i64: 2528, 1>}]} {
    %get3A = arith.constant 0 : index
    %get3A_0 = arith.constant 0 : index
    %get3A_1 = vector.load %arg1[%get3A, %get3A_0] : memref<2528x2xf32, #tpu.memory_space<vmem>>, vector<2528x1xf32>
    %get3A_2 = arith.constant 0 : index
    %get3A_3 = arith.constant 1 : index
    %get3A_4 = vector.load %arg1[%get3A_2, %get3A_3] : memref<2528x2xf32, #tpu.memory_space<vmem>>, vector<2528x1xf32>
    %add3A = arith.addf %get3A_1, %get3A_4 : vector<2528x1xf32>
    %add3A_5 = arith.constant 1.000000e+00 : f32
    %add3A_6 = vector.broadcast %add3A_5 : f32 to vector<2528x1xf32>
    %add3A_7 = arith.addf %add3A, %add3A_6 : vector<2528x1xf32>
    %max3A = arith.constant 9.99999996E-13 : f32
    %max3A_8 = vector.broadcast %max3A : f32 to vector<2528x1xf32>
    %max3A_9 = arith.maximumf %add3A_7, %max3A_8 : vector<2528x1xf32>
    %rsqrt3A = math.rsqrt %max3A_9 : vector<2528x1xf32>
    %get3A_10 = arith.constant 0 : index
    %get3A_11 = arith.constant 0 : index
    %get3A_12 = vector.load %arg2[%get3A_10, %get3A_11] : memref<2528x128xf32, #tpu.memory_space<vmem>>, vector<2528x128xf32>
    %get3A_13 = arith.constant 0 : index
    %get3A_14 = arith.constant 0 : index
    %get3A_15 = vector.load %arg3[%get3A_13, %get3A_14] : memref<128x128xf32, #tpu.memory_space<vmem>>, vector<128x128xf32>
    %dot_general3A = arith.constant dense<0.000000e+00> : vector<2528x128xf32>
    %dot_general3A_16 = tpu.matmul %get3A_12, %get3A_15, %dot_general3A {dimension_numbers = #tpu.dot_dimension_numbers<[1], [0], [0], [1], [0, 0, 1, 1], [], []>, transpose_lhs_hint = false} : vector<2528x128xf32>, vector<128x128xf32>, vector<2528x128xf32> -> vector<2528x128xf32>
    %mul3A = vector.broadcast %rsqrt3A : vector<2528x1xf32> to vector<2528x128xf32>
    %mul3A_17 = arith.mulf %dot_general3A_16, %mul3A : vector<2528x128xf32>
    %swap3A = arith.constant 0 : index
    %swap3A_18 = arith.constant 0 : index
    %swap3A_19 = vector.load %arg4[%swap3A, %swap3A_18] : memref<2528x128xf32, #tpu.memory_space<vmem>>, vector<2528x128xf32>
    tpu.vector_store %arg4[%swap3A, %swap3A_18], %mul3A_17 {strides = array<i32>} : memref<2528x128xf32, #tpu.memory_space<vmem>>, vector<2528x128xf32>,
    %swap3A_20 = arith.constant 0 : index
    %swap3A_21 = arith.constant 0 : index
    %swap3A_22 = vector.load %arg5[%swap3A_20, %swap3A_21] : memref<2528x1xf32, #tpu.memory_space<vmem>>, vector<2528x1xf32>
    tpu.vector_store %arg5[%swap3A_20, %swap3A_21], %rsqrt3A {strides = array<i32>} : memref<2528x1xf32, #tpu.memory_space<vmem>>, vector<2528x1xf32>,
    return
  }
  func.func @transform_0(%arg0: i32) -> (i32, i32) {
    %c0_i32 = arith.constant 0 : i32
    %c0_i32_0 = arith.constant 0 : i32
    return %arg0, %c0_i32 : i32, i32
  }
  func.func @transform_1(%arg0: i32) -> (i32, i32) {
    %c0_i32 = arith.constant 0 : i32
    %c0_i32_0 = arith.constant 0 : i32
    return %arg0, %c0_i32 : i32, i32
  }
  func.func @transform_2(%arg0: i32) -> (i32, i32) {
    %c0_i32 = arith.constant 0 : i32
    %c0_i32_0 = arith.constant 0 : i32
    %c0_i32_1 = arith.constant 0 : i32
    return %c0_i32, %c0_i32_0 : i32, i32
  }
  func.func @transform_3(%arg0: i32) -> (i32, i32) {
    %c0_i32 = arith.constant 0 : i32
    %c0_i32_0 = arith.constant 0 : i32
    return %arg0, %c0_i32 : i32, i32
  }
  func.func @transform_4(%arg0: i32) -> (i32, i32) {
    %c0_i32 = arith.constant 0 : i32
    %c0_i32_0 = arith.constant 0 : i32
    return %arg0, %c0_i32 : i32, i32
  }
}

module attributes {stable_mosaic.version = 14 : i64} {
  func.func @_t2_body(%arg0: i32, %arg1: memref<2x2528x128xf32, #tpu.memory_space<vmem>>, %arg2: memref<2528x128xf32, #tpu.memory_space<vmem>>, %arg3: memref<2528x1xf32, #tpu.memory_space<vmem>>, %arg4: memref<1x128xf32, #tpu.memory_space<vmem>>, %arg5: memref<128x128xf32, #tpu.memory_space<vmem>>, %arg6: memref<2528x128xf32, #tpu.memory_space<vmem>>) attributes {dimension_semantics = [#tpu.dimension_semantics<arbitrary>], iteration_bounds = array<i64: 4>, scalar_prefetch = 0 : i64, scratch_operands = 0 : i64, tpu.core_type = #tpu.core_type<tc>, window_params = [{transform_indices = @transform_0, window_bounds = array<i64: 2, 2528, 128>}, {transform_indices = @transform_1, window_bounds = array<i64: 2528, 128>}, {transform_indices = @transform_2, window_bounds = array<i64: 2528, 1>}, {pipeline_mode = #tpu.pipeline_mode<synchronous>, transform_indices = @transform_3, window_bounds = array<i64: 1, 128>}, {pipeline_mode = #tpu.pipeline_mode<synchronous>, transform_indices = @transform_4, window_bounds = array<i64: 128, 128>}, {transform_indices = @transform_5, window_bounds = array<i64: 2528, 128>}]} {
    %get3A = arith.constant 0 : index
    %get3A_0 = arith.constant 0 : index
    %get3A_1 = arith.constant 0 : index
    %get3A_2 = vector.load %arg1[%get3A, %get3A_0, %get3A_1] : memref<2x2528x128xf32, #tpu.memory_space<vmem>>, vector<1x2528x128xf32>
    %get3A_3 = vector.shape_cast %get3A_2 : vector<1x2528x128xf32> to vector<2528x128xf32>
    %get3A_4 = arith.constant 1 : index
    %get3A_5 = arith.constant 0 : index
    %get3A_6 = arith.constant 0 : index
    %get3A_7 = vector.load %arg1[%get3A_4, %get3A_5, %get3A_6] : memref<2x2528x128xf32, #tpu.memory_space<vmem>>, vector<1x2528x128xf32>
    %get3A_8 = vector.shape_cast %get3A_7 : vector<1x2528x128xf32> to vector<2528x128xf32>
    %add3A = arith.addf %get3A_3, %get3A_8 : vector<2528x128xf32>
    %get3A_9 = arith.constant 0 : index
    %get3A_10 = arith.constant 0 : index
    %get3A_11 = vector.load %arg3[%get3A_9, %get3A_10] : memref<2528x1xf32, #tpu.memory_space<vmem>>, vector<2528x1xf32>
    %get3A_12 = arith.constant 0 : index
    %get3A_13 = arith.constant 0 : index
    %get3A_14 = vector.load %arg2[%get3A_12, %get3A_13] : memref<2528x128xf32, #tpu.memory_space<vmem>>, vector<2528x128xf32>
    %add3A_15 = arith.addf %add3A, %get3A_14 : vector<2528x128xf32>
    %mul3A = vector.broadcast %get3A_11 : vector<2528x1xf32> to vector<2528x128xf32>
    %mul3A_16 = arith.mulf %mul3A, %add3A_15 : vector<2528x128xf32>
    %get3A_17 = arith.constant 0 : index
    %get3A_18 = arith.constant 0 : index
    %get3A_19 = vector.load %arg4[%get3A_17, %get3A_18] : memref<1x128xf32, #tpu.memory_space<vmem>>, vector<1x128xf32>
    %add3A_20 = vector.broadcast %get3A_19 : vector<1x128xf32> to vector<2528x128xf32>
    %add3A_21 = arith.addf %mul3A_16, %add3A_20 : vector<2528x128xf32>
    %max3A = arith.constant 0.000000e+00 : f32
    %max3A_22 = vector.broadcast %max3A : f32 to vector<2528x128xf32>
    %max3A_23 = arith.maximumf %add3A_21, %max3A_22 : vector<2528x128xf32>
    %get3A_24 = arith.constant 0 : index
    %get3A_25 = arith.constant 0 : index
    %get3A_26 = vector.load %arg5[%get3A_24, %get3A_25] : memref<128x128xf32, #tpu.memory_space<vmem>>, vector<128x128xf32>
    %dot_general3A = arith.constant dense<0.000000e+00> : vector<2528x128xf32>
    %dot_general3A_27 = tpu.matmul %max3A_23, %get3A_26, %dot_general3A {dimension_numbers = #tpu.dot_dimension_numbers<[1], [0], [0], [1], [0, 0, 1, 1], [], []>, transpose_lhs_hint = false} : vector<2528x128xf32>, vector<128x128xf32>, vector<2528x128xf32> -> vector<2528x128xf32>
    %get3A_28 = arith.constant 0 : index
    %get3A_29 = arith.constant 0 : index
    %get3A_30 = vector.load %arg3[%get3A_28, %get3A_29] : memref<2528x1xf32, #tpu.memory_space<vmem>>, vector<2528x1xf32>
    %mul3A_31 = vector.broadcast %get3A_30 : vector<2528x1xf32> to vector<2528x128xf32>
    %mul3A_32 = arith.mulf %dot_general3A_27, %mul3A_31 : vector<2528x128xf32>
    %swap3A = arith.constant 0 : index
    %swap3A_33 = arith.constant 0 : index
    %swap3A_34 = vector.load %arg6[%swap3A, %swap3A_33] : memref<2528x128xf32, #tpu.memory_space<vmem>>, vector<2528x128xf32>
    tpu.vector_store %arg6[%swap3A, %swap3A_33], %mul3A_32 {strides = array<i32>} : memref<2528x128xf32, #tpu.memory_space<vmem>>, vector<2528x128xf32>,
    return
  }
  func.func @transform_0(%arg0: i32) -> (i32, i32, i32) {
    %c0_i32 = arith.constant 0 : i32
    %c0_i32_0 = arith.constant 0 : i32
    %c0_i32_1 = arith.constant 0 : i32
    return %c0_i32, %arg0, %c0_i32_0 : i32, i32, i32
  }
  func.func @transform_1(%arg0: i32) -> (i32, i32) {
    %c0_i32 = arith.constant 0 : i32
    %c0_i32_0 = arith.constant 0 : i32
    return %arg0, %c0_i32 : i32, i32
  }
  func.func @transform_2(%arg0: i32) -> (i32, i32) {
    %c0_i32 = arith.constant 0 : i32
    %c0_i32_0 = arith.constant 0 : i32
    return %arg0, %c0_i32 : i32, i32
  }
  func.func @transform_3(%arg0: i32) -> (i32, i32) {
    %c0_i32 = arith.constant 0 : i32
    %c0_i32_0 = arith.constant 0 : i32
    %c0_i32_1 = arith.constant 0 : i32
    return %c0_i32, %c0_i32_0 : i32, i32
  }
  func.func @transform_4(%arg0: i32) -> (i32, i32) {
    %c0_i32 = arith.constant 0 : i32
    %c0_i32_0 = arith.constant 0 : i32
    %c0_i32_1 = arith.constant 0 : i32
    return %c0_i32, %c0_i32_0 : i32, i32
  }
  func.func @transform_5(%arg0: i32) -> (i32, i32) {
    %c0_i32 = arith.constant 0 : i32
    %c0_i32_0 = arith.constant 0 : i32
    return %arg0, %c0_i32 : i32, i32
  }
}

module attributes {stable_mosaic.version = 14 : i64} {
  func.func @_t3_body(%arg0: i32, %arg1: memref<2x2528x128xf32, #tpu.memory_space<vmem>>, %arg2: memref<2528x128xf32, #tpu.memory_space<vmem>>, %arg3: memref<2528x1xf32, #tpu.memory_space<vmem>>, %arg4: memref<1x128xf32, #tpu.memory_space<vmem>>, %arg5: memref<128x128xf32, #tpu.memory_space<vmem>>, %arg6: memref<1x128xf32, #tpu.memory_space<vmem>>, %arg7: memref<128x40xf32, #tpu.memory_space<vmem>>, %arg8: memref<1x40xf32, #tpu.memory_space<vmem>>, %arg9: memref<2528x40xf32, #tpu.memory_space<vmem>>) attributes {dimension_semantics = [#tpu.dimension_semantics<arbitrary>], iteration_bounds = array<i64: 4>, scalar_prefetch = 0 : i64, scratch_operands = 0 : i64, tpu.core_type = #tpu.core_type<tc>, window_params = [{transform_indices = @transform_0, window_bounds = array<i64: 2, 2528, 128>}, {transform_indices = @transform_1, window_bounds = array<i64: 2528, 128>}, {transform_indices = @transform_2, window_bounds = array<i64: 2528, 1>}, {pipeline_mode = #tpu.pipeline_mode<synchronous>, transform_indices = @transform_3, window_bounds = array<i64: 1, 128>}, {pipeline_mode = #tpu.pipeline_mode<synchronous>, transform_indices = @transform_4, window_bounds = array<i64: 128, 128>}, {pipeline_mode = #tpu.pipeline_mode<synchronous>, transform_indices = @transform_5, window_bounds = array<i64: 1, 128>}, {pipeline_mode = #tpu.pipeline_mode<synchronous>, transform_indices = @transform_6, window_bounds = array<i64: 128, 40>}, {pipeline_mode = #tpu.pipeline_mode<synchronous>, transform_indices = @transform_7, window_bounds = array<i64: 1, 40>}, {transform_indices = @transform_8, window_bounds = array<i64: 2528, 40>}]} {
    %get3A = arith.constant 0 : index
    %get3A_0 = arith.constant 0 : index
    %get3A_1 = arith.constant 0 : index
    %get3A_2 = vector.load %arg1[%get3A, %get3A_0, %get3A_1] : memref<2x2528x128xf32, #tpu.memory_space<vmem>>, vector<1x2528x128xf32>
    %get3A_3 = vector.shape_cast %get3A_2 : vector<1x2528x128xf32> to vector<2528x128xf32>
    %get3A_4 = arith.constant 1 : index
    %get3A_5 = arith.constant 0 : index
    %get3A_6 = arith.constant 0 : index
    %get3A_7 = vector.load %arg1[%get3A_4, %get3A_5, %get3A_6] : memref<2x2528x128xf32, #tpu.memory_space<vmem>>, vector<1x2528x128xf32>
    %get3A_8 = vector.shape_cast %get3A_7 : vector<1x2528x128xf32> to vector<2528x128xf32>
    %add3A = arith.addf %get3A_3, %get3A_8 : vector<2528x128xf32>
    %get3A_9 = arith.constant 0 : index
    %get3A_10 = arith.constant 0 : index
    %get3A_11 = vector.load %arg3[%get3A_9, %get3A_10] : memref<2528x1xf32, #tpu.memory_space<vmem>>, vector<2528x1xf32>
    %get3A_12 = arith.constant 0 : index
    %get3A_13 = arith.constant 0 : index
    %get3A_14 = vector.load %arg2[%get3A_12, %get3A_13] : memref<2528x128xf32, #tpu.memory_space<vmem>>, vector<2528x128xf32>
    %add3A_15 = arith.addf %add3A, %get3A_14 : vector<2528x128xf32>
    %mul3A = vector.broadcast %get3A_11 : vector<2528x1xf32> to vector<2528x128xf32>
    %mul3A_16 = arith.mulf %mul3A, %add3A_15 : vector<2528x128xf32>
    %get3A_17 = arith.constant 0 : index
    %get3A_18 = arith.constant 0 : index
    %get3A_19 = vector.load %arg4[%get3A_17, %get3A_18] : memref<1x128xf32, #tpu.memory_space<vmem>>, vector<1x128xf32>
    %add3A_20 = vector.broadcast %get3A_19 : vector<1x128xf32> to vector<2528x128xf32>
    %add3A_21 = arith.addf %mul3A_16, %add3A_20 : vector<2528x128xf32>
    %max3A = arith.constant 0.000000e+00 : f32
    %max3A_22 = vector.broadcast %max3A : f32 to vector<2528x128xf32>
    %max3A_23 = arith.maximumf %add3A_21, %max3A_22 : vector<2528x128xf32>
    %get3A_24 = arith.constant 0 : index
    %get3A_25 = arith.constant 0 : index
    %get3A_26 = vector.load %arg5[%get3A_24, %get3A_25] : memref<128x128xf32, #tpu.memory_space<vmem>>, vector<128x128xf32>
    %dot_general3A = arith.constant dense<0.000000e+00> : vector<2528x128xf32>
    %dot_general3A_27 = tpu.matmul %max3A_23, %get3A_26, %dot_general3A {dimension_numbers = #tpu.dot_dimension_numbers<[1], [0], [0], [1], [0, 0, 1, 1], [], []>, transpose_lhs_hint = false} : vector<2528x128xf32>, vector<128x128xf32>, vector<2528x128xf32> -> vector<2528x128xf32>
    %get3A_28 = arith.constant 0 : index
    %get3A_29 = arith.constant 0 : index
    %get3A_30 = vector.load %arg6[%get3A_28, %get3A_29] : memref<1x128xf32, #tpu.memory_space<vmem>>, vector<1x128xf32>
    %add3A_31 = vector.broadcast %get3A_30 : vector<1x128xf32> to vector<2528x128xf32>
    %add3A_32 = arith.addf %dot_general3A_27, %add3A_31 : vector<2528x128xf32>
    %max3A_33 = arith.constant 0.000000e+00 : f32
    %max3A_34 = vector.broadcast %max3A_33 : f32 to vector<2528x128xf32>
    %max3A_35 = arith.maximumf %add3A_32, %max3A_34 : vector<2528x128xf32>
    %get3A_36 = arith.constant 0 : index
    %get3A_37 = arith.constant 0 : index
    %get3A_38 = vector.load %arg7[%get3A_36, %get3A_37] : memref<128x40xf32, #tpu.memory_space<vmem>>, vector<128x40xf32>
    %dot_general3A_39 = arith.constant dense<0.000000e+00> : vector<2528x40xf32>
    %dot_general3A_40 = tpu.matmul %max3A_35, %get3A_38, %dot_general3A_39 {dimension_numbers = #tpu.dot_dimension_numbers<[1], [0], [0], [1], [0, 0, 1, 1], [], []>, transpose_lhs_hint = false} : vector<2528x128xf32>, vector<128x40xf32>, vector<2528x40xf32> -> vector<2528x40xf32>
    %get3A_41 = arith.constant 0 : index
    %get3A_42 = arith.constant 0 : index
    %get3A_43 = vector.load %arg8[%get3A_41, %get3A_42] : memref<1x40xf32, #tpu.memory_space<vmem>>, vector<1x40xf32>
    %add3A_44 = vector.broadcast %get3A_43 : vector<1x40xf32> to vector<2528x40xf32>
    %add3A_45 = arith.addf %dot_general3A_40, %add3A_44 : vector<2528x40xf32>
    %swap3A = arith.constant 0 : index
    %swap3A_46 = arith.constant 0 : index
    %swap3A_47 = vector.load %arg9[%swap3A, %swap3A_46] : memref<2528x40xf32, #tpu.memory_space<vmem>>, vector<2528x40xf32>
    tpu.vector_store %arg9[%swap3A, %swap3A_46], %add3A_45 {strides = array<i32>} : memref<2528x40xf32, #tpu.memory_space<vmem>>, vector<2528x40xf32>,
    return
  }
  func.func @transform_0(%arg0: i32) -> (i32, i32, i32) {
    %c0_i32 = arith.constant 0 : i32
    %c0_i32_0 = arith.constant 0 : i32
    %c0_i32_1 = arith.constant 0 : i32
    return %c0_i32, %arg0, %c0_i32_0 : i32, i32, i32
  }
  func.func @transform_1(%arg0: i32) -> (i32, i32) {
    %c0_i32 = arith.constant 0 : i32
    %c0_i32_0 = arith.constant 0 : i32
    return %arg0, %c0_i32 : i32, i32
  }
  func.func @transform_2(%arg0: i32) -> (i32, i32) {
    %c0_i32 = arith.constant 0 : i32
    %c0_i32_0 = arith.constant 0 : i32
    return %arg0, %c0_i32 : i32, i32
  }
  func.func @transform_3(%arg0: i32) -> (i32, i32) {
    %c0_i32 = arith.constant 0 : i32
    %c0_i32_0 = arith.constant 0 : i32
    %c0_i32_1 = arith.constant 0 : i32
    return %c0_i32, %c0_i32_0 : i32, i32
  }
  func.func @transform_4(%arg0: i32) -> (i32, i32) {
    %c0_i32 = arith.constant 0 : i32
    %c0_i32_0 = arith.constant 0 : i32
    %c0_i32_1 = arith.constant 0 : i32
    return %c0_i32, %c0_i32_0 : i32, i32
  }
  func.func @transform_5(%arg0: i32) -> (i32, i32) {
    %c0_i32 = arith.constant 0 : i32
    %c0_i32_0 = arith.constant 0 : i32
    %c0_i32_1 = arith.constant 0 : i32
    return %c0_i32, %c0_i32_0 : i32, i32
  }
  func.func @transform_6(%arg0: i32) -> (i32, i32) {
    %c0_i32 = arith.constant 0 : i32
    %c0_i32_0 = arith.constant 0 : i32
    %c0_i32_1 = arith.constant 0 : i32
    return %c0_i32, %c0_i32_0 : i32, i32
  }
  func.func @transform_7(%arg0: i32) -> (i32, i32) {
    %c0_i32 = arith.constant 0 : i32
    %c0_i32_0 = arith.constant 0 : i32
    %c0_i32_1 = arith.constant 0 : i32
    return %c0_i32, %c0_i32_0 : i32, i32
  }
  func.func @transform_8(%arg0: i32) -> (i32, i32) {
    %c0_i32 = arith.constant 0 : i32
    %c0_i32_0 = arith.constant 0 : i32
    return %arg0, %c0_i32 : i32, i32
  }
}

</mosaic_0001>

<sc_bundles>
// kernel: kernel.10.cloned.1.call-start
scs
__scs_entry_jumppad:
0x0: {  	(pc) =	sbr.rel $0x88, $3  }
0x1: {  	(tag) =	ssettag $0x0;
	lr =	simm.s32 $0x1  }
0x2: {  	[smem:$0x3F95] =	sst lr;
	_ =	strace $0xD0000000  }
0x3: {  	_ = 	snop  }
0x4: {  	_ = 	snop  }
0x5: {  	_ = 	snop  }
0x6: {  	_ = 	snop  }
0x7: {  	_ = 	snop  }
__scs_overlays_trampoline_lowered:
0x8: {  	[smem:$0x3FA4] =	sst s0  }
0x9: {  	[smem:$0x3FA5] =	sst s1  }
0xa: {  	[smem:$0x3FA6] =	sst s2  }
0xb: {  	[smem:$0x3FA7] =	sst s3  }
0xc: {  	[smem:$0x3FA8] =	sst s4  }
0xd: {  	[smem:$0x3FA9] =	sst s5  }
0xe: {  	[smem:$0x3FAA] =	sst s6  }
0xf: {  	[smem:$0x3FAB] =	sst s7  }
0x10: {  	[smem:$0x3FAC] =	sst s8  }
0x11: {  	[smem:$0x3FAD] =	sst s9;
	s0 =	simm.s32 @!p0 $0x0  }
0x12: {  	s1 =	sld [smem:$0x3F93];
	s0 =	simm.s32 @p0 $0x1  }
0x13: {  	[smem:$0x3FAE] =	sst s0;
	s0 =	simm.s32 @!p1 $0x0  }
0x14: {  	s2 =	sld [smem:$0x3F92];
	s0 =	simm.s32 @p1 $0x1  }
0x15: {  	[smem:$0x3FAF] =	sst s0;
	s0 =	simm.s32 @!p2 $0x0  }
0x16: {  	s3 =	sld [smem:$0x3FDB];
	s0 =	simm.s32 @p2 $0x1  }
0x17: {  	s4 =	simm.s32 $0x1BF5;
	[smem:$0x3FB1] =	sst s0  }
0x18: {  	s0 =	sld [smem:$0x3F94];
	_ =	swait.ge [sflag:s4], $0x0  }
0x19: {  	s7 =	sld [smem:$0x3F95]  }
0x1a: {  	s8 =	sadd.s32 $0xFFFFE003, lr  }
0x1b: {  	s9 =	sadd.s32 $0xFFFFFEF7, lr;
	s5 =	simm.s32 $0xFFFFFFFF;
	p2 =	slt.u32 s8, $0xFFFFF086  }
0x1c: {  	p1 =	slt.u32 s9, $0xF7A;
	s5 =	simm.s32 @!p2 $0x0  }
0x1d: {  	s5 =	simm.s32 @p1 $0x1;
	p0 =	seq.s32 s7, s2  }
0x1e: {  	s7 =	smul.u32 @!p0 $0xF7A, s2;
	p2 =	seq.s32 @!p0 s5, $0x0  }
0x1f: {  	s9 =	smul.u32 $0xF7A, s1;
	s8 =	simm.s32 @!p0 $0x1BF5;
	p2 =	por !p2, p0  }
0x20: {  	[sflag:s8] =	ssyncset.s32 @!p0 $0xFFFFF086;
	s6 =	sadd.s32 @!p0 s3, s7;
	s7 =	simm.s32 @!p0 $0x108  }
0x21: {  	s3 =	sadd.s32 s3, s9;
	s6 =	sadd.s32 @!p0 $0x88, s6;
	s7 =	simm.s32 @p2 $0x1082  }
0x22: {  	[simem:s7], [sflag:s8] =	dma.local @!p0 [hbm:s6], $0xF7A  }
0x23: {  	s9 =	sor.u32 $0xD0000000, s2;
	s6 =	simm.s32 $0x108;
	_ =	swait.ge @!p0 [sflag:s8], $0x0  }
0x24: {  	s3 =	sadd.s32 $0x88, s3;
	s6 =	simm.s32 @!p1 $0x1082;
	[sflag:s4] =	ssyncset.s32 $0xFFFFF086  }
0x25: {  	[simem:s6], [sflag:s4] =	dma.local [hbm:s3], $0xF7A  }
0x26: {  	[smem:$0x3F95] =	sst s1;
	(tag) =	ssettag s2;
	_ =	strace s9  }
0x27: {  	s1 =	sld [smem:$0x3FA5]  }
0x28: {  	s2 =	sld [smem:$0x3FA6]  }
0x29: {  	s4 =	sld [smem:$0x3FA8]  }
0x2a: {  	p0 =	seq.s32 s5, $0x0;
	s5 =	sld [smem:$0x3FA9]  }
0x2b: {  	s6 =	sld [smem:$0x3FAA]  }
0x2c: {  	s7 =	sld [smem:$0x3FAB]  }
0x2d: {  	s3 =	simm.s32 $0x108;
	s8 =	sld [smem:$0x3FAC]  }
0x2e: {  	s3 =	simm.s32 @!p0 $0x1082;
	s9 =	sld [smem:$0x3FAD]  }
0x2f: {  	lr =	sadd.s32 s0, s3;
	s0 =	sld [smem:$0x3FA4]  }
0x30: {  	s3 =	sld [smem:$0x3FA7]  }
0x31: {  	[smem:$0x3FB0] =	sst s10  }
0x32: {  	s10 =	sld [smem:$0x3FAE];
	_ =	sdelay $0x3  }
0x33: {  	p0 =	seq.s32 s10, $0x1;
	s10 =	sld [smem:$0x3FB0];
	_ =	sdelay $0x3  }
0x34: {  	[smem:$0x3FB0] =	sst s10  }
0x35: {  	s10 =	sld [smem:$0x3FAF];
	_ =	sdelay $0x3  }
0x36: {  	p1 =	seq.s32 s10, $0x1;
	s10 =	sld [smem:$0x3FB0];
	_ =	sdelay $0x3  }
0x37: {  	[smem:$0x3FB0] =	sst s10  }
0x38: {  	s10 =	sld [smem:$0x3FB1]  }
0x39: {  	_ = 	snop;
	(pc) =	sbr.ind lr, $3  }
0x3a: {  	_ = 	snop  }
0x3b: {  	_ = 	snop  }
0x3c: {  	p2 =	seq.s32 s10, $0x1;
	s10 =	sld [smem:$0x3FB0]  }
0x3d: {  	_ =	shalt  }
0x3e: {  	_ =	shalt  }
0x3f: {  	_ =	shalt  }
0x40: {  	_ =	shalt  }
0x41: {  	_ =	shalt  }
0x42: {  	_ =	shalt  }
0x43: {  	_ =	shalt  }
0x44: {  	_ =	shalt  }
0x45: {  	_ =	shalt  }
0x46: {  	_ =	shalt  }
0x47: {  	_ =	shalt  }
0x48: {  	_ =	shalt  }
0x49: {  	_ =	shalt  }
0x4a: {  	_ =	shalt  }
0x4b: {  	_ =	shalt  }
0x4c: {  	_ =	shalt  }
0x4d: {  	_ =	shalt  }
0x4e: {  	_ =	shalt  }
0x4f: {  	_ =	shalt  }
0x50: {  	_ =	shalt  }
0x51: {  	_ =	shalt  }
0x52: {  	_ =	shalt  }
0x53: {  	_ =	shalt  }
0x54: {  	_ =	shalt  }
0x55: {  	_ =	shalt  }
0x56: {  	_ =	shalt  }
0x57: {  	_ =	shalt  }
0x58: {  	_ =	shalt  }
0x59: {  	_ =	shalt  }
0x5a: {  	_ =	shalt  }
0x5b: {  	_ =	shalt  }
0x5c: {  	_ =	shalt  }
0x5d: {  	_ =	shalt  }
0x5e: {  	_ =	shalt  }
0x5f: {  	_ =	shalt  }
0x60: {  	_ =	shalt  }
0x61: {  	_ =	shalt  }
0x62: {  	_ =	shalt  }
0x63: {  	_ =	shalt  }
0x64: {  	_ =	shalt  }
0x65: {  	_ =	shalt  }
0x66: {  	_ =	shalt  }
0x67: {  	_ =	shalt  }
0x68: {  	_ =	shalt  }
0x69: {  	_ =	shalt  }
0x6a: {  	_ =	shalt  }
0x6b: {  	_ =	shalt  }
0x6c: {  	_ =	shalt  }
0x6d: {  	_ =	shalt  }
0x6e: {  	_ =	shalt  }
0x6f: {  	_ =	shalt  }
0x70: {  	_ =	shalt  }
0x71: {  	_ =	shalt  }
0x72: {  	_ =	shalt  }
0x73: {  	_ =	shalt  }
0x74: {  	_ =	shalt  }
0x75: {  	_ =	shalt  }
0x76: {  	_ =	shalt  }
0x77: {  	_ =	shalt  }
0x78: {  	_ =	shalt  }
0x79: {  	_ =	shalt  }
0x7a: {  	_ =	shalt  }
0x7b: {  	_ =	shalt  }
0x7c: {  	_ =	shalt  }
0x7d: {  	_ =	shalt  }
0x7e: {  	_ =	shalt  }
0x7f: {  	_ =	shalt  }
0x80: {  	_ =	shalt  }
0x81: {  	_ =	shalt  }
0x82: {  	_ =	shalt  }
0x83: {  	_ =	shalt  }
0x84: {  	_ =	shalt  }
0x85: {  	_ =	shalt  }
0x86: {  	_ =	shalt  }
0x87: {  	_ =	shalt  }
.Lfunc_end0:
.L_simem_size_0:
called_computation_lowered:
.L_overlay_start_0:
0x88: {  	s2 =	sld [smem:$0x3FD9]  }
0x89: {  	s3 =	sld [smem:$0x3FFE];
	_ =	sdelay $0x1  }
0x8a: {  	s1 =	srdreg.scid  }
0x8b: {  	s0 =	sand.u32 $0x1, s1  }
0x8c: {  	s17 =	sshll.u32 s0, $0xA;
	s2 =	sadd.s32 s3, s2  }
0x8d: {  	s2 =	sadd.s32 s2, s17  }
0x8e: {  	[smem:$0x3FBC] =	sst s2  }
0x8f: {  	_ = 	snop  }
0x90: {  	s2 =	sld [smem:$0x3FD0];
	(tm) =	ssettm $0x1  }
0x91: {  	s18 =	sld [smem:$0x3FFB];
	_ =	sdelay $0x3  }
0x92: {  	_ =	strace s18  }
0x93: {  	s3 =	sld [smem:$0x3FFC];
	_ =	sdelay $0x3  }
0x94: {  	_ =	strace s3  }
0x95: {  	s3 =	sld [smem:$0x3FFD];
	_ =	sdelay $0x3  }
0x96: {  	_ =	strace s3  }
0x97: {  	_ =	strace $0x8FFFFFFF  }
0x98: {  	s19 =	sld [smem:$0x3FDB];
	_ =	sdelay $0x1  }
0x99: {  	s4 =	simm.s32 $_scs_section_size  }
0x9a: {  	s5 =	simm.s32 $_size__tile_overlayer_lowered;
	s6 =	simm.s32 $_tile_overlayer_lowered  }
0x9b: {  	s22 =	simm.s32 $0x1BFF;
	s21 =	sshll.u32 s6, $0x1;
	s3 =	sadd.s32 s4, s19  }
0x9c: {  	s7 =	simm.s32 $0x0;
	s20 =	sshll.u32 s5, $0x1;
	s5 =	sadd.s32 s21, s3  }
0x9d: {  	[timem:s7], [sflag:s22] =	dma.local [hbm:s5], s20  }
0x9e: {  	_ =	swait.ge [sflag:s22], s20  }
0x9f: {  	s4 =	ssub.s32 $0x0, s20;
	[sflag:s22] =	ssyncset.done $0x0  }
0xa0: {  	[sflag:s22] =	ssyncadd.s32 s4;
	_ =	sdelay $0x1  }
0xa1: {  	s23 =	simm.s32 $0x1B8B  }
0xa2: {  	_ =	swait.ge [sflag:s23], $0x1  }
0xa3: {  	[sflag:s23] =	ssyncset.done $0x0  }
0xa4: {  	s25 =	simm.s32 $0x1B8E;
	s24 =	sld [smem:$0x3FFE];
	[sflag:s23] =	ssyncadd.s32 $0xFFFFFFFF  }
0xa5: {  	s26 =	simm.s32 $execute0_lowered;
	[smem:$0x3FD2] =	sst s25  }
0xa6: {  	s5 =	sshll.u32 s26, $0x1;
	_ =	strace $0x80000046;
	[dreg:$0x1] =	wrdreg $0xFFFFFFFF  }
0xa7: {  	s28 =	simm.s32 $_size_execute0_lowered;
	s3 =	sadd.s32 s3, s5;
	[dreg:$0x0] =	wrdreg $0x0  }
0xa8: {  	s5 =	sshll.u32 s28, $0x1;
	[dreg:$0x2] =	wrdreg s3  }
0xa9: {  	[dreg:$0x3] =	wrdreg s5  }
0xaa: {  	[dreg:$0x4] =	wrdreg $0xC0  }
0xab: {  	_ =	task [dreg:s7], $0x5FFFF  }
0xac: {  	[dreg:$0x1] =	wrdreg $0xFFFFFFFF  }
0xad: {  	[dreg:$0x0] =	wrdreg $0x60  }
0xae: {  	[dreg:$0x2] =	wrdreg s2  }
0xaf: {  	[dreg:$0x3] =	wrdreg s24  }
0xb0: {  	[dreg:$0x4] =	wrdreg $0x68000  }
0xb1: {  	[dreg:$0x5] =	wrdreg $0x9  }
0xb2: {  	_ =	task.clear_ibuf [dreg:s7], $0x6FFFF;
	_ =	strace $0x90000046  }
0xb3: {  	s29 =	simm.s32 $0x9;
	_ =	strace $0x80000048  }
0xb4: {  	_ =	swait.ge [sflag:s29], $0x1  }
0xb5: {  	[sflag:s29] =	ssyncadd.s32 $0xFFFFFFFF  }
0xb6: {  	_ =	strace $0x90000048  }
0xb7: {  	_ =	sfence  }
0xb8: {  	s30 =	sld [smem:$0x0];
	_ =	sdelay $0x2  }
0xb9: {  	s31 =	sshll.u32 s1, $0xD;
	s1 =	sshrl.u32 s1, $0x2  }
0xba: {  	s3 =	sand.u32 $0x4000, s31;
	s1 =	sadd.s32 s1, s30  }
0xbb: {  	s0 =	sor.u32 s3, s0;
	s1 =	sshll.u32 s1, $0x11  }
0xbc: {  	s0 =	sor.u32 s1, s0  }
0xbd: {  	s0 =	sadd.s32 $0x8F2B, s0  }
0xbe: {  	[sflag:s0] =	ssyncadd.remote.s32 $0x1  }
0xbf: {  	_ =	sfence.sel $0xFFFF  }
0xc0: {  	[dreg:$0x0] =	wrdreg $0xFFFFFFFF;
	(pc) =	sbr.abs _section_cstart, $3  }
0xc1: {  	[dreg:$0x1] =	wrdreg $0xFFFFFFFF  }
0xc2: {  	_ =	task.clear_ibuf [dreg:s7], $0x2FFFF;
	_ =	strace $0x9FFFFFFF  }
0xc3: {  	(tm) =	ssettm $0x7FFFFFFF  }
tec
execute0_lowered:
.L_overlay_start_1:
0x0: {  	(tag) =	ssettag $0x1  }
0x1: {  	s7 =	rddreg [dreg:$0x0]  }
0x2: {  	s5 =	rddreg [dreg:$0x1];
	s0 =	stileid.u32  }
0x3: {  	s1 =	srdreg.scid;
	s2 =	rddreg [dreg:$0x2]  }
0x4: {  	s3 =	simm.s32 $0x0;
	s13 =	simm.s32 $0x80;
	s14 =	simm.s32 $0x0  }
0x5: {  	s4 =	smul.u32 $0x13C00, s0;
	s6 =	sand.u32 $0x1, s1;
	s1 =	rddreg [dreg:$0x3]  }
0x6: {  	[smem:$0x7FF] =	sst s3;
	s11 =	smul.u32 $0x4F000, s0;
	s12 =	sshll.u32 s0, $0x1  }
0x7: {  	s31 =	sshll.u32 s0, $0x6;
	s8 =	smul.u32 $0x13C000, s6;
	_ =	strace $0x80000047  }
0x8: {  	s10 =	ssub.s32 $0x2, s6;
	s6 =	sor.u32 s6, s12;
	s12 =	simm.s32 $0x2800  }
0x9: {  	s9 =	sshrl.u32 s4, $0x3;
	s26 =	sshrl.u32 s10, $0x1;
	s28 =	sshrl.u32 s11, $0x2  }
0xa: {  	s29 =	smul.u32 $0x500, s6;
	s6 =	sor.u32 $0x1C01, s31;
	s11 =	simm.s32 $0x1  }
0xb: {  	s8 =	sadd.s32 s4, s8;
	s9 =	sadd.s32 s9, s5;
	s4 =	sadd.s32 $0x2AA00, s5  }
0xc: {  	s10 =	ssub.s32 s10, s26;
	s30 =	sadd.s32 s28, s2;
	s8 =	sshrl.u32 s8, $0x3  }
0xd: {  	s7 =	sadd.s32 s7, s29;
	s8 =	sadd.s32 s8, s5;
	s5 =	sadd.s32 $0x3200, s9  }
0xe: {  	s9 =	smax.u32 s10, $0x1;
	s10 =	sshrl.u32 s30, $0x3;
	s8 =	sadd.s32 $0x2B200, s8  }
.LBB2_1:
0xf: {  	[spmem:s10], [sflag:s6] =	dma.local [hbm:s5], $0x2780  }
0x10: {  	_ =	swait.ge [sflag:s11], $0x2780  }
0x11: {  	[sflag:s11] =	ssyncset.done $0x0  }
0x12: {  	[sflag:s11] =	ssyncadd.s32 $0xFFFFD880  }
0x13: {  	[tilespmem:s3], [sflag:$0x1] =	stream.linear.gather [hbm4b:s7+s3], $0x2780, $0x38;
	[tilespmem:$0x1A400] =	vst v63  }
0x14: {  	_ =	swait.ge [sflag:s11], $0x2780  }
0x15: {  	[sflag:s11] =	ssyncset.done $0x0  }
0x16: {  	[sflag:s11] =	ssyncadd.s32 $0xFFFFD880  }
0x17: {  	[tilespmem:s12], [sflag:$0x1] =	stream.linear.gather [hbm4b:s4+s3], $0x4000, $0x38;
	[tilespmem:$0x1A400] =	vst v63  }
0x18: {  	_ =	swait.ge [sflag:s11], $0x4000  }
0x19: {  	[sflag:s11] =	ssyncset.done $0x0  }
0x1a: {  	[sflag:s11] =	ssyncadd.s32 $0xFFFFC000  }
0x1b: {  	s15 =	simm.s32 $0x0;
	[bflag:$0x0] =	sbarrier.arrive $0xFFFF  }
0x1c: {  	[spmem:s2] =	stream.indirect.scatter.add.f32 [tilespmem:s12], [sflag:$0x1], $0x80, s15, s13, $0xb8;
	[tilespmem:$0x1A400] =	vst v63  }
0x1d: {  	_ =	swait.ge [sflag:s11], $0x4000  }
0x1e: {  	s15 =	simm.s32 $0x200;
	[sflag:s11] =	ssyncset.done $0x0  }
.LBB2_2:
0x1f: {  	s16 =	sshra.s32 s15, $0x2;
	[sflag:s11] =	ssyncadd.s32 $0xFFFFC000;
	p0 =	sne.s32 s15, $0x9C00  }
0x20: {  	[spmem:s2] =	stream.indirect.scatter.add.f32 [tilespmem:s12], [sflag:$0x1], $0x80, s16, s13, $0xb8;
	[tilespmem:$0x1A400] =	vst v63  }
.Ltmp0:
0x21: {  	_ = 	snop;
	(pc) =	sbr.rel @p0 .LBB2_2-.Ltmp0, $4  }
0x22: {  	_ = 	snop  }
0x23: {  	s15 =	sadd.s32 $0x200, s15  }
0x24: {  	_ =	swait.ge [sflag:s11], $0x4000  }
0x25: {  	[sflag:s11] =	ssyncset.done $0x0  }
0x26: {  	s14 =	sadd.s32 $0x1, s14  }
0x27: {  	[sflag:s11] =	ssyncadd.s32 $0xFFFFC000;
	p0 =	sne.s32 s14, s9  }
.Ltmp1:
0x28: {  	[bflag:$0x0] =	sbarrier.arrive $0xFFFF;
	(pc) =	sbr.rel @p0 .LBB2_1-.Ltmp1, $4  }
0x29: {  	[hbm:s8], [sflag:s6] =	dma.local [spmem:s10], $0x2780  }
0x2a: {  	_ =	swait.ge [sflag:s11], $0x2780  }
0x2b: {  	[sflag:s11] =	ssyncset.done $0x0  }
0x2c: {  	[sflag:s11] =	ssyncadd.s32 $0xFFFFD880  }
0x2d: {  	_ =	sfence.sel $0x180000  }
0x2e: {  	[bflag:$0x0] =	sbarrier.arrive $0xFFFF  }
0x2f: {  	p0 =	sne.s32 s0, $0x0;
	_ =	strace $0x90000047  }
0x30: {  	s0 =	sadd.s32 @!p0 $0x100000, s1;
	[bflag:$0x2] =	sbarrier.arrive $0xFFFF  }
0x31: {  	[sflag:s0] =	ssyncadd.tile.s32 @!p0 $0x1;
	_ =	shalt  }
.Lfunc_end2:
_tile_overlayer_lowered:
.L_overlay_start_2:
0x32: {  	(tag) =	ssettag $0x2  }
0x33: {  	s0 =	rddreg [dreg:$0x0];
	s2 =	stileid.u32  }
0x34: {  	s1 =	rddreg [dreg:$0x1];
	p0 =	sne.s32 s2, $0x0  }
0x35: {  	s3 =	rddreg [dreg:$0x2];
	[bflag:$0x3] =	sbarrier.arrive $0xFFFF;
	s2 =	simm.s32 @!p0 $0x1C01  }
0x36: {  	[timem:s3], [sflag:s2] =	dma.local @!p0 [hbm:s0], s1  }
0x37: {  	s0 =	simm.s32 @!p0 $0x1  }
0x38: {  	_ =	swait.ge @!p0 [sflag:s0], s1  }
0x39: {  	s1 =	ssub.s32 @!p0 $0x0, s1;
	[sflag:s0] =	ssyncset.done @!p0 $0x0  }
0x3a: {  	[sflag:s0] =	ssyncadd.s32 @!p0 s1  }
0x3b: {  	[bflag:$0x3] =	sbarrier.arrive $0xFFFF  }
0x3c: {  	_ =	shalt  }

// kernel: kernel.13.cloned.1.call-start
scs
__scs_entry_jumppad:
0x0: {  	(pc) =	sbr.rel $0x88, $3  }
0x1: {  	(tag) =	ssettag $0x0;
	lr =	simm.s32 $0x1  }
0x2: {  	[smem:$0x3F95] =	sst lr;
	_ =	strace $0xD0000000  }
0x3: {  	_ = 	snop  }
0x4: {  	_ = 	snop  }
0x5: {  	_ = 	snop  }
0x6: {  	_ = 	snop  }
0x7: {  	_ = 	snop  }
__scs_overlays_trampoline_lowered:
0x8: {  	[smem:$0x3FA4] =	sst s0  }
0x9: {  	[smem:$0x3FA5] =	sst s1  }
0xa: {  	[smem:$0x3FA6] =	sst s2  }
0xb: {  	[smem:$0x3FA7] =	sst s3  }
0xc: {  	[smem:$0x3FA8] =	sst s4  }
0xd: {  	[smem:$0x3FA9] =	sst s5  }
0xe: {  	[smem:$0x3FAA] =	sst s6  }
0xf: {  	[smem:$0x3FAB] =	sst s7  }
0x10: {  	[smem:$0x3FAC] =	sst s8  }
0x11: {  	[smem:$0x3FAD] =	sst s9;
	s0 =	simm.s32 @!p0 $0x0  }
0x12: {  	s1 =	sld [smem:$0x3F93];
	s0 =	simm.s32 @p0 $0x1  }
0x13: {  	[smem:$0x3FAE] =	sst s0;
	s0 =	simm.s32 @!p1 $0x0  }
0x14: {  	s2 =	sld [smem:$0x3F92];
	s0 =	simm.s32 @p1 $0x1  }
0x15: {  	[smem:$0x3FAF] =	sst s0;
	s0 =	simm.s32 @!p2 $0x0  }
0x16: {  	s3 =	sld [smem:$0x3FDB];
	s0 =	simm.s32 @p2 $0x1  }
0x17: {  	s4 =	simm.s32 $0x1BF5;
	[smem:$0x3FB1] =	sst s0  }
0x18: {  	s0 =	sld [smem:$0x3F94];
	_ =	swait.ge [sflag:s4], $0x0  }
0x19: {  	s7 =	sld [smem:$0x3F95]  }
0x1a: {  	s8 =	sadd.s32 $0xFFFFE003, lr  }
0x1b: {  	s9 =	sadd.s32 $0xFFFFFEF7, lr;
	s5 =	simm.s32 $0xFFFFFFFF;
	p2 =	slt.u32 s8, $0xFFFFF086  }
0x1c: {  	p1 =	slt.u32 s9, $0xF7A;
	s5 =	simm.s32 @!p2 $0x0  }
0x1d: {  	s5 =	simm.s32 @p1 $0x1;
	p0 =	seq.s32 s7, s2  }
0x1e: {  	s7 =	smul.u32 @!p0 $0xF7A, s2;
	p2 =	seq.s32 @!p0 s5, $0x0  }
0x1f: {  	s9 =	smul.u32 $0xF7A, s1;
	s8 =	simm.s32 @!p0 $0x1BF5;
	p2 =	por !p2, p0  }
0x20: {  	[sflag:s8] =	ssyncset.s32 @!p0 $0xFFFFF086;
	s6 =	sadd.s32 @!p0 s3, s7;
	s7 =	simm.s32 @!p0 $0x108  }
0x21: {  	s3 =	sadd.s32 s3, s9;
	s6 =	sadd.s32 @!p0 $0x88, s6;
	s7 =	simm.s32 @p2 $0x1082  }
0x22: {  	[simem:s7], [sflag:s8] =	dma.local @!p0 [hbm:s6], $0xF7A  }
0x23: {  	s9 =	sor.u32 $0xD0000000, s2;
	s6 =	simm.s32 $0x108;
	_ =	swait.ge @!p0 [sflag:s8], $0x0  }
0x24: {  	s3 =	sadd.s32 $0x88, s3;
	s6 =	simm.s32 @!p1 $0x1082;
	[sflag:s4] =	ssyncset.s32 $0xFFFFF086  }
0x25: {  	[simem:s6], [sflag:s4] =	dma.local [hbm:s3], $0xF7A  }
0x26: {  	[smem:$0x3F95] =	sst s1;
	(tag) =	ssettag s2;
	_ =	strace s9  }
0x27: {  	s1 =	sld [smem:$0x3FA5]  }
0x28: {  	s2 =	sld [smem:$0x3FA6]  }
0x29: {  	s4 =	sld [smem:$0x3FA8]  }
0x2a: {  	p0 =	seq.s32 s5, $0x0;
	s5 =	sld [smem:$0x3FA9]  }
0x2b: {  	s6 =	sld [smem:$0x3FAA]  }
0x2c: {  	s7 =	sld [smem:$0x3FAB]  }
0x2d: {  	s3 =	simm.s32 $0x108;
	s8 =	sld [smem:$0x3FAC]  }
0x2e: {  	s3 =	simm.s32 @!p0 $0x1082;
	s9 =	sld [smem:$0x3FAD]  }
0x2f: {  	lr =	sadd.s32 s0, s3;
	s0 =	sld [smem:$0x3FA4]  }
0x30: {  	s3 =	sld [smem:$0x3FA7]  }
0x31: {  	[smem:$0x3FB0] =	sst s10  }
0x32: {  	s10 =	sld [smem:$0x3FAE];
	_ =	sdelay $0x3  }
0x33: {  	p0 =	seq.s32 s10, $0x1;
	s10 =	sld [smem:$0x3FB0];
	_ =	sdelay $0x3  }
0x34: {  	[smem:$0x3FB0] =	sst s10  }
0x35: {  	s10 =	sld [smem:$0x3FAF];
	_ =	sdelay $0x3  }
0x36: {  	p1 =	seq.s32 s10, $0x1;
	s10 =	sld [smem:$0x3FB0];
	_ =	sdelay $0x3  }
0x37: {  	[smem:$0x3FB0] =	sst s10  }
0x38: {  	s10 =	sld [smem:$0x3FB1]  }
0x39: {  	_ = 	snop;
	(pc) =	sbr.ind lr, $3  }
0x3a: {  	_ = 	snop  }
0x3b: {  	_ = 	snop  }
0x3c: {  	p2 =	seq.s32 s10, $0x1;
	s10 =	sld [smem:$0x3FB0]  }
0x3d: {  	_ =	shalt  }
0x3e: {  	_ =	shalt  }
0x3f: {  	_ =	shalt  }
0x40: {  	_ =	shalt  }
0x41: {  	_ =	shalt  }
0x42: {  	_ =	shalt  }
0x43: {  	_ =	shalt  }
0x44: {  	_ =	shalt  }
0x45: {  	_ =	shalt  }
0x46: {  	_ =	shalt  }
0x47: {  	_ =	shalt  }
0x48: {  	_ =	shalt  }
0x49: {  	_ =	shalt  }
0x4a: {  	_ =	shalt  }
0x4b: {  	_ =	shalt  }
0x4c: {  	_ =	shalt  }
0x4d: {  	_ =	shalt  }
0x4e: {  	_ =	shalt  }
0x4f: {  	_ =	shalt  }
0x50: {  	_ =	shalt  }
0x51: {  	_ =	shalt  }
0x52: {  	_ =	shalt  }
0x53: {  	_ =	shalt  }
0x54: {  	_ =	shalt  }
0x55: {  	_ =	shalt  }
0x56: {  	_ =	shalt  }
0x57: {  	_ =	shalt  }
0x58: {  	_ =	shalt  }
0x59: {  	_ =	shalt  }
0x5a: {  	_ =	shalt  }
0x5b: {  	_ =	shalt  }
0x5c: {  	_ =	shalt  }
0x5d: {  	_ =	shalt  }
0x5e: {  	_ =	shalt  }
0x5f: {  	_ =	shalt  }
0x60: {  	_ =	shalt  }
0x61: {  	_ =	shalt  }
0x62: {  	_ =	shalt  }
0x63: {  	_ =	shalt  }
0x64: {  	_ =	shalt  }
0x65: {  	_ =	shalt  }
0x66: {  	_ =	shalt  }
0x67: {  	_ =	shalt  }
0x68: {  	_ =	shalt  }
0x69: {  	_ =	shalt  }
0x6a: {  	_ =	shalt  }
0x6b: {  	_ =	shalt  }
0x6c: {  	_ =	shalt  }
0x6d: {  	_ =	shalt  }
0x6e: {  	_ =	shalt  }
0x6f: {  	_ =	shalt  }
0x70: {  	_ =	shalt  }
0x71: {  	_ =	shalt  }
0x72: {  	_ =	shalt  }
0x73: {  	_ =	shalt  }
0x74: {  	_ =	shalt  }
0x75: {  	_ =	shalt  }
0x76: {  	_ =	shalt  }
0x77: {  	_ =	shalt  }
0x78: {  	_ =	shalt  }
0x79: {  	_ =	shalt  }
0x7a: {  	_ =	shalt  }
0x7b: {  	_ =	shalt  }
0x7c: {  	_ =	shalt  }
0x7d: {  	_ =	shalt  }
0x7e: {  	_ =	shalt  }
0x7f: {  	_ =	shalt  }
0x80: {  	_ =	shalt  }
0x81: {  	_ =	shalt  }
0x82: {  	_ =	shalt  }
0x83: {  	_ =	shalt  }
0x84: {  	_ =	shalt  }
0x85: {  	_ =	shalt  }
0x86: {  	_ =	shalt  }
0x87: {  	_ =	shalt  }
.Lfunc_end0:
.L_simem_size_0:
called_computation.1_lowered:
.L_overlay_start_0:
0x88: {  	s2 =	sld [smem:$0x3FD9]  }
0x89: {  	s3 =	sld [smem:$0x3FFE];
	_ =	sdelay $0x1  }
0x8a: {  	s1 =	srdreg.scid  }
0x8b: {  	s0 =	sand.u32 $0x1, s1  }
0x8c: {  	s16 =	sshll.u32 s0, $0xA;
	s2 =	sadd.s32 s3, s2  }
0x8d: {  	s2 =	sadd.s32 s2, s16  }
0x8e: {  	[smem:$0x3FBC] =	sst s2  }
0x8f: {  	_ = 	snop  }
0x90: {  	(tm) =	ssettm $0x1  }
0x91: {  	s17 =	sld [smem:$0x3FFB];
	_ =	sdelay $0x3  }
0x92: {  	_ =	strace s17  }
0x93: {  	s2 =	sld [smem:$0x3FFC];
	_ =	sdelay $0x3  }
0x94: {  	_ =	strace s2  }
0x95: {  	s2 =	sld [smem:$0x3FFD];
	_ =	sdelay $0x3  }
0x96: {  	_ =	strace s2  }
0x97: {  	_ =	strace $0x8FFFFFFF  }
0x98: {  	s18 =	sld [smem:$0x3FDB];
	_ =	sdelay $0x1  }
0x99: {  	s19 =	simm.s32 $_scs_section_size  }
0x9a: {  	s4 =	simm.s32 $_size__tile_overlayer_lowered;
	s5 =	simm.s32 $_tile_overlayer_lowered  }
0x9b: {  	s22 =	simm.s32 $0x1BFF;
	s21 =	sshll.u32 s5, $0x1;
	s2 =	sadd.s32 s19, s18  }
0x9c: {  	s6 =	simm.s32 $0x0;
	s20 =	sshll.u32 s4, $0x1;
	s4 =	sadd.s32 s21, s2  }
0x9d: {  	[timem:s6], [sflag:s22] =	dma.local [hbm:s4], s20  }
0x9e: {  	_ =	swait.ge [sflag:s22], s20  }
0x9f: {  	s3 =	ssub.s32 $0x0, s20;
	[sflag:s22] =	ssyncset.done $0x0  }
0xa0: {  	[sflag:s22] =	ssyncadd.s32 s3;
	_ =	sdelay $0x1  }
0xa1: {  	s23 =	simm.s32 $0x1B8B  }
0xa2: {  	_ =	swait.ge [sflag:s23], $0x1  }
0xa3: {  	[sflag:s23] =	ssyncset.done $0x0  }
0xa4: {  	s25 =	simm.s32 $0x1B8E;
	s24 =	sld [smem:$0x3FFE];
	[sflag:s23] =	ssyncadd.s32 $0xFFFFFFFF  }
0xa5: {  	s26 =	simm.s32 $execute0_lowered;
	[smem:$0x3FD2] =	sst s25  }
0xa6: {  	s4 =	sshll.u32 s26, $0x1;
	_ =	strace $0x80000049;
	[dreg:$0x1] =	wrdreg $0xFFFFFFFF  }
0xa7: {  	s28 =	simm.s32 $_size_execute0_lowered;
	s2 =	sadd.s32 s2, s4;
	[dreg:$0x0] =	wrdreg $0x0  }
0xa8: {  	s4 =	sshll.u32 s28, $0x1;
	[dreg:$0x2] =	wrdreg s2  }
0xa9: {  	[dreg:$0x3] =	wrdreg s4  }
0xaa: {  	[dreg:$0x4] =	wrdreg $0xC0  }
0xab: {  	_ =	task [dreg:s6], $0x5FFFF  }
0xac: {  	[dreg:$0x1] =	wrdreg $0xFFFFFFFF  }
0xad: {  	[dreg:$0x0] =	wrdreg $0x60  }
0xae: {  	[dreg:$0x2] =	wrdreg s24  }
0xaf: {  	[dreg:$0x3] =	wrdreg $0xB0000  }
0xb0: {  	[dreg:$0x4] =	wrdreg $0x9  }
0xb1: {  	_ =	task.clear_ibuf [dreg:s6], $0x5FFFF;
	_ =	strace $0x90000049  }
0xb2: {  	s29 =	simm.s32 $0x9;
	_ =	strace $0x8000004B  }
0xb3: {  	_ =	swait.ge [sflag:s29], $0x1  }
0xb4: {  	[sflag:s29] =	ssyncadd.s32 $0xFFFFFFFF  }
0xb5: {  	_ =	strace $0x9000004B  }
0xb6: {  	_ =	sfence  }
0xb7: {  	s30 =	sld [smem:$0x0];
	_ =	sdelay $0x2  }
0xb8: {  	s31 =	sshll.u32 s1, $0xD;
	s1 =	sshrl.u32 s1, $0x2  }
0xb9: {  	s3 =	sand.u32 $0x4000, s31;
	s1 =	sadd.s32 s1, s30  }
0xba: {  	s0 =	sor.u32 s3, s0;
	s1 =	sshll.u32 s1, $0x11  }
0xbb: {  	s0 =	sor.u32 s1, s0  }
0xbc: {  	s0 =	sadd.s32 $0x8F2B, s0  }
0xbd: {  	[sflag:s0] =	ssyncadd.remote.s32 $0x1  }
0xbe: {  	_ =	sfence.sel $0xFFFF  }
0xbf: {  	[dreg:$0x0] =	wrdreg $0xFFFFFFFF;
	(pc) =	sbr.abs _section_cstart, $3  }
0xc0: {  	[dreg:$0x1] =	wrdreg $0xFFFFFFFF  }
0xc1: {  	_ =	task.clear_ibuf [dreg:s6], $0x2FFFF;
	_ =	strace $0x9FFFFFFF  }
0xc2: {  	(tm) =	ssettm $0x7FFFFFFF  }
0xc3: {  	_ =	shalt  }
tec
execute0_lowered:
.L_overlay_start_1:
0x0: {  	(tag) =	ssettag $0x1  }
0x1: {  	s5 =	rddreg [dreg:$0x0]  }
0x2: {  	s0 =	srdreg.scid;
	s2 =	rddreg [dreg:$0x1];
	s3 =	simm.s32 $0x0  }
0x3: {  	s14 =	simm.s32 $0x80;
	s15 =	simm.s32 $0x7000;
	s16 =	simm.s32 $0x1  }
0x4: {  	s17 =	simm.s32 $0x0;
	s9 =	sand.u32 $0x1, s0;
	s0 =	stileid.u32  }
0x5: {  	[smem:$0x7FF] =	sst s3;
	s4 =	sadd.s32 $0x2AA00, s5;
	s7 =	smul.u32 $0x13C00, s0  }
0x6: {  	s1 =	sshll.u32 s9, $0x4;
	s8 =	smul.u32 $0x13C000, s9;
	s28 =	ssub.s32 $0x2, s9  }
0x7: {  	s11 =	smul.u32 $0x4F000, s0;
	s31 =	sshll.u32 s0, $0x6;
	s1 =	sor.u32 s0, s1  }
0x8: {  	p0 =	seq.s32 s9, $0x1;
	s29 =	sshrl.u32 s28, $0x1;
	s6 =	smul.u32 $0x700, s1  }
0x9: {  	s1 =	rddreg [dreg:$0x2];
	_ =	strace $0x8000004A;
	s26 =	sshrl.u32 s7, $0x3  }
0xa: {  	s7 =	sadd.s32 s7, s8;
	s13 =	ssub.s32 s28, s29;
	s30 =	sshrl.u32 s11, $0x2  }
.Ltmp0:
0xb: {  	s7 =	sshrl.u32 s7, $0x3;
	s11 =	sadd.s32 s30, s2;
	(pc) =	sbr.rel .LBB2_1-.Ltmp0, $4  }
0xc: {  	s10 =	sadd.s32 s6, s5;
	s6 =	sadd.s32 s26, s5;
	s12 =	sadd.s32 s7, s5  }
0xd: {  	s11 =	sshrl.u32 s11, $0x3;
	s5 =	sadd.s32 $0x3200, s6;
	s6 =	sor.u32 $0x1C02, s31  }
0xe: {  	s7 =	sadd.s32 $0x88200, s10;
	s8 =	sadd.s32 $0x7A200, s10;
	s9 =	sadd.s32 $0x96200, s12  }
0xf: {  	s10 =	smax.u32 s13, $0x1;
	s12 =	simm.s32 $0x2;
	s13 =	simm.s32 $0x3800  }
.LBB2_7:
0x10: {  	s18 =	sshra.s32 s18, $0x2;
	[sflag:s12] =	ssyncadd.s32 $0xFFFFC000  }
0x11: {  	[tilespmem:s15], [sflag:$0x1] =	stream.indirect.gather [hbm4b:s4+s14], $0x80, s18, s14, $0xb8;
	[tilespmem:$0x1EC00] =	vst v63  }
0x12: {  	_ =	swait.ge [sflag:s16], $0x4000  }
0x13: {  	[sflag:s16] =	ssyncset.done $0x0  }
0x14: {  	s18 =	sadd.s32 $0x3800, s18;
	[sflag:s16] =	ssyncadd.s32 $0xFFFFC000  }
0x15: {  	[spmem:s2] =	stream.indirect.scatter.add.f32 [tilespmem:s15], [sflag:$0x2], $0x80, s18, s14, $0xb8;
	[tilespmem:$0x1EC00] =	vst v63  }
0x16: {  	_ =	swait.ge [sflag:s12], $0x4000  }
0x17: {  	[sflag:s12] =	ssyncset.done $0x0  }
0x18: {  	[sflag:s12] =	ssyncadd.s32 $0xFFFFC000  }
.LBB2_8:
0x19: {  	s17 =	sadd.s32 $0x1, s17  }
0x1a: {  	p1 =	sne.s32 s17, s10  }
.Ltmp1:
0x1b: {  	[bflag:$0x0] =	sbarrier.arrive $0xFFFF;
	(pc) =	sbr.rel @!p1 .LBB2_9-.Ltmp1, $4  }
0x1c: {  	[hbm:s9], [sflag:s6] =	dma.local [spmem:s11], $0x2780  }
0x1d: {  	_ =	swait.ge [sflag:s12], $0x2780  }
0x1e: {  	[sflag:s12] =	ssyncset.done $0x0  }
0x1f: {  	[sflag:s12] =	ssyncadd.s32 $0xFFFFD880  }
.LBB2_1:
0x20: {  	[spmem:s11], [sflag:s6] =	dma.local [hbm:s5], $0x2780  }
0x21: {  	_ =	swait.ge [sflag:s12], $0x2780  }
0x22: {  	[sflag:s12] =	ssyncset.done $0x0  }
0x23: {  	[sflag:s12] =	ssyncadd.s32 $0xFFFFD880  }
0x24: {  	[tilespmem:s3], [sflag:$0x2] =	stream.linear.gather [hbm4b:s7+s3], $0x3480, $0x38;
	[tilespmem:$0x1EC00] =	vst v63  }
0x25: {  	_ =	swait.ge [sflag:s12], $0x3480  }
0x26: {  	[sflag:s12] =	ssyncset.done $0x0  }
0x27: {  	[sflag:s12] =	ssyncadd.s32 $0xFFFFCB80  }
0x28: {  	[tilespmem:s13], [sflag:$0x2] =	stream.linear.gather [hbm4b:s8+s3], $0x3480, $0x38;
	[tilespmem:$0x1EC00] =	vst v63  }
.Ltmp2:
0x29: {  	_ =	swait.ge [sflag:s12], $0x3480;
	(pc) =	sbr.rel @!p0 .LBB2_2-.Ltmp2, $4  }
0x2a: {  	[sflag:s12] =	ssyncset.done $0x0  }
0x2b: {  	[sflag:s12] =	ssyncadd.s32 $0xFFFFCB80  }
0x2c: {  	[bflag:$0x0] =	sbarrier.arrive $0xFFFF  }
0x2d: {  	s18 =	simm.s32 $0x0  }
0x2e: {  	[tilespmem:s15], [sflag:$0x1] =	stream.indirect.gather [hbm4b:s4+s14], $0x80, s18, s14, $0xb8;
	[tilespmem:$0x1EC00] =	vst v63  }
0x2f: {  	_ =	swait.ge [sflag:s16], $0x4000  }
0x30: {  	[sflag:s16] =	ssyncset.done $0x0  }
0x31: {  	s31 =	simm.s32 $0x3800;
	[sflag:s16] =	ssyncadd.s32 $0xFFFFC000  }
0x32: {  	[spmem:s2] =	stream.indirect.scatter.add.f32 [tilespmem:s15], [sflag:$0x2], $0x80, s31, s14, $0xb8;
	[tilespmem:$0x1EC00] =	vst v63  }
0x33: {  	_ =	swait.ge [sflag:s12], $0x4000  }
0x34: {  	s18 =	simm.s32 $0x200;
	s19 =	simm.s32 $0x400;
	[sflag:s12] =	ssyncset.done $0x0  }
.LBB2_6:
0x35: {  	s20 =	sshra.s32 s18, $0x2  }
0x36: {  	[sflag:s12] =	ssyncadd.s32 $0xFFFFC000;
	s18 =	smov.u32 s19;
	s21 =	sadd.s32 $0x200, s19  }
0x37: {  	[tilespmem:s15], [sflag:$0x1] =	stream.indirect.gather [hbm4b:s4+s14], $0x80, s20, s14, $0xb8;
	[tilespmem:$0x1EC00] =	vst v63  }
0x38: {  	p1 =	sne.s32 s19, $0x6800;
	_ =	swait.ge [sflag:s16], $0x4000  }
.Ltmp3:
0x39: {  	[sflag:s16] =	ssyncset.done $0x0;
	(pc) =	sbr.rel @p1 .LBB2_6-.Ltmp3, $4  }
0x3a: {  	s19 =	sadd.s32 $0x3800, s20;
	[sflag:s16] =	ssyncadd.s32 $0xFFFFC000  }
0x3b: {  	[spmem:s2] =	stream.indirect.scatter.add.f32 [tilespmem:s15], [sflag:$0x2], $0x80, s19, s14, $0xb8;
	[tilespmem:$0x1EC00] =	vst v63  }
0x3c: {  	_ =	swait.ge [sflag:s12], $0x4000  }
0x3d: {  	s19 =	smov.u32 s21;
	[sflag:s12] =	ssyncset.done $0x0  }
.Ltmp4:
0x3e: {  	_ = 	snop;
	(pc) =	sbr.rel .LBB2_7-.Ltmp4, $1  }
0x3f: {  	_ =	sdelay $0x3  }
.LBB2_2:
0x40: {  	[tilespmem:s15], [sflag:$0x1] =	stream.indirect.gather [hbm4b:s4+s14], $0x80, s18, s14, $0xb8;
	[tilespmem:$0x1EC00] =	vst v63  }
0x41: {  	_ =	swait.ge [sflag:s16], $0x4000  }
0x42: {  	[sflag:s16] =	ssyncset.done $0x0  }
0x43: {  	s31 =	simm.s32 $0x3800;
	[sflag:s16] =	ssyncadd.s32 $0xFFFFC000  }
0x44: {  	[spmem:s2] =	stream.indirect.scatter.add.f32 [tilespmem:s15], [sflag:$0x2], $0x80, s31, s14, $0xb8;
	[tilespmem:$0x1EC00] =	vst v63  }
0x45: {  	_ =	swait.ge [sflag:s12], $0x4000  }
0x46: {  	s18 =	simm.s32 $0x200;
	s19 =	simm.s32 $0x400;
	[sflag:s12] =	ssyncset.done $0x0  }
.LBB2_3:
0x47: {  	s20 =	sshra.s32 s18, $0x2  }
0x48: {  	[sflag:s12] =	ssyncadd.s32 $0xFFFFC000;
	s18 =	smov.u32 s19;
	s21 =	sadd.s32 $0x200, s19  }
0x49: {  	[tilespmem:s15], [sflag:$0x1] =	stream.indirect.gather [hbm4b:s4+s14], $0x80, s20, s14, $0xb8;
	[tilespmem:$0x1EC00] =	vst v63  }
0x4a: {  	p1 =	seq.s32 s19, $0xD000;
	_ =	swait.ge [sflag:s16], $0x4000  }
.Ltmp5:
0x4b: {  	[sflag:s16] =	ssyncset.done $0x0;
	(pc) =	sbr.rel @!p1 .LBB2_3-.Ltmp5, $4  }
0x4c: {  	s19 =	sadd.s32 $0x3800, s20;
	[sflag:s16] =	ssyncadd.s32 $0xFFFFC000  }
0x4d: {  	[spmem:s2] =	stream.indirect.scatter.add.f32 [tilespmem:s15], [sflag:$0x2], $0x80, s19, s14, $0xb8;
	[tilespmem:$0x1EC00] =	vst v63  }
0x4e: {  	_ =	swait.ge [sflag:s12], $0x4000  }
0x4f: {  	s19 =	smov.u32 s21;
	[sflag:s12] =	ssyncset.done $0x0  }
0x50: {  	s18 =	sshra.s32 s18, $0x2;
	[sflag:s12] =	ssyncadd.s32 $0xFFFFC000  }
0x51: {  	[tilespmem:s15], [sflag:$0x1] =	stream.indirect.gather [hbm4b:s4+s14], $0x80, s18, s14, $0xb8;
	[tilespmem:$0x1EC00] =	vst v63  }
0x52: {  	_ =	swait.ge [sflag:s16], $0x4000  }
0x53: {  	[sflag:s16] =	ssyncset.done $0x0  }
.Ltmp6:
0x54: {  	s18 =	sadd.s32 $0x3800, s18;
	[sflag:s16] =	ssyncadd.s32 $0xFFFFC000;
	(pc) =	sbr.rel .LBB2_8-.Ltmp6, $4  }
0x55: {  	[spmem:s2] =	stream.indirect.scatter.add.f32 [tilespmem:s15], [sflag:$0x2], $0x80, s18, s14, $0xb8;
	[tilespmem:$0x1EC00] =	vst v63  }
0x56: {  	_ =	swait.ge [sflag:s12], $0x4000  }
0x57: {  	[sflag:s12] =	ssyncset.done $0x0  }
0x58: {  	[sflag:s12] =	ssyncadd.s32 $0xFFFFC000  }
.LBB2_9:
0x59: {  	_ =	sfence.sel $0x180000  }
0x5a: {  	[bflag:$0x0] =	sbarrier.arrive $0xFFFF  }
0x5b: {  	p0 =	sne.s32 s0, $0x0;
	_ =	strace $0x9000004A  }
0x5c: {  	s0 =	sadd.s32 @!p0 $0x100000, s1;
	[bflag:$0x2] =	sbarrier.arrive $0xFFFF  }
0x5d: {  	[sflag:s0] =	ssyncadd.tile.s32 @!p0 $0x1;
	_ =	shalt  }
.Lfunc_end2:
_tile_overlayer_lowered:
.L_overlay_start_2:
0x5e: {  	(tag) =	ssettag $0x2  }
0x5f: {  	s0 =	rddreg [dreg:$0x0];
	s2 =	stileid.u32  }
0x60: {  	s1 =	rddreg [dreg:$0x1];
	p0 =	sne.s32 s2, $0x0  }
0x61: {  	s3 =	rddreg [dreg:$0x2];
	[bflag:$0x3] =	sbarrier.arrive $0xFFFF;
	s2 =	simm.s32 @!p0 $0x1C02  }
0x62: {  	[timem:s3], [sflag:s2] =	dma.local @!p0 [hbm:s0], s1  }
0x63: {  	s0 =	simm.s32 @!p0 $0x2  }
0x64: {  	_ =	swait.ge @!p0 [sflag:s0], s1  }
0x65: {  	s1 =	ssub.s32 @!p0 $0x0, s1;
	[sflag:s0] =	ssyncset.done @!p0 $0x0  }
0x66: {  	[sflag:s0] =	ssyncadd.s32 @!p0 s1  }
0x67: {  	[bflag:$0x3] =	sbarrier.arrive $0xFFFF  }
0x68: {  	_ =	shalt  }

// kernel: kernel.16.cloned.1.call-start
scs
__scs_entry_jumppad:
0x0: {  	(pc) =	sbr.rel $0x88, $3  }
0x1: {  	(tag) =	ssettag $0x0;
	lr =	simm.s32 $0x1  }
0x2: {  	[smem:$0x3F95] =	sst lr;
	_ =	strace $0xD0000000  }
0x3: {  	_ = 	snop  }
0x4: {  	_ = 	snop  }
0x5: {  	_ = 	snop  }
0x6: {  	_ = 	snop  }
0x7: {  	_ = 	snop  }
__scs_overlays_trampoline_lowered:
0x8: {  	[smem:$0x3FA4] =	sst s0  }
0x9: {  	[smem:$0x3FA5] =	sst s1  }
0xa: {  	[smem:$0x3FA6] =	sst s2  }
0xb: {  	[smem:$0x3FA7] =	sst s3  }
0xc: {  	[smem:$0x3FA8] =	sst s4  }
0xd: {  	[smem:$0x3FA9] =	sst s5  }
0xe: {  	[smem:$0x3FAA] =	sst s6  }
0xf: {  	[smem:$0x3FAB] =	sst s7  }
0x10: {  	[smem:$0x3FAC] =	sst s8  }
0x11: {  	[smem:$0x3FAD] =	sst s9;
	s0 =	simm.s32 @!p0 $0x0  }
0x12: {  	s1 =	sld [smem:$0x3F93];
	s0 =	simm.s32 @p0 $0x1  }
0x13: {  	[smem:$0x3FAE] =	sst s0;
	s0 =	simm.s32 @!p1 $0x0  }
0x14: {  	s2 =	sld [smem:$0x3F92];
	s0 =	simm.s32 @p1 $0x1  }
0x15: {  	[smem:$0x3FAF] =	sst s0;
	s0 =	simm.s32 @!p2 $0x0  }
0x16: {  	s3 =	sld [smem:$0x3FDB];
	s0 =	simm.s32 @p2 $0x1  }
0x17: {  	s4 =	simm.s32 $0x1BF5;
	[smem:$0x3FB1] =	sst s0  }
0x18: {  	s0 =	sld [smem:$0x3F94];
	_ =	swait.ge [sflag:s4], $0x0  }
0x19: {  	s7 =	sld [smem:$0x3F95]  }
0x1a: {  	s8 =	sadd.s32 $0xFFFFE003, lr  }
0x1b: {  	s9 =	sadd.s32 $0xFFFFFEF7, lr;
	s5 =	simm.s32 $0xFFFFFFFF;
	p2 =	slt.u32 s8, $0xFFFFF086  }
0x1c: {  	p1 =	slt.u32 s9, $0xF7A;
	s5 =	simm.s32 @!p2 $0x0  }
0x1d: {  	s5 =	simm.s32 @p1 $0x1;
	p0 =	seq.s32 s7, s2  }
0x1e: {  	s7 =	smul.u32 @!p0 $0xF7A, s2;
	p2 =	seq.s32 @!p0 s5, $0x0  }
0x1f: {  	s9 =	smul.u32 $0xF7A, s1;
	s8 =	simm.s32 @!p0 $0x1BF5;
	p2 =	por !p2, p0  }
0x20: {  	[sflag:s8] =	ssyncset.s32 @!p0 $0xFFFFF086;
	s6 =	sadd.s32 @!p0 s3, s7;
	s7 =	simm.s32 @!p0 $0x108  }
0x21: {  	s3 =	sadd.s32 s3, s9;
	s6 =	sadd.s32 @!p0 $0x88, s6;
	s7 =	simm.s32 @p2 $0x1082  }
0x22: {  	[simem:s7], [sflag:s8] =	dma.local @!p0 [hbm:s6], $0xF7A  }
0x23: {  	s9 =	sor.u32 $0xD0000000, s2;
	s6 =	simm.s32 $0x108;
	_ =	swait.ge @!p0 [sflag:s8], $0x0  }
0x24: {  	s3 =	sadd.s32 $0x88, s3;
	s6 =	simm.s32 @!p1 $0x1082;
	[sflag:s4] =	ssyncset.s32 $0xFFFFF086  }
0x25: {  	[simem:s6], [sflag:s4] =	dma.local [hbm:s3], $0xF7A  }
0x26: {  	[smem:$0x3F95] =	sst s1;
	(tag) =	ssettag s2;
	_ =	strace s9  }
0x27: {  	s1 =	sld [smem:$0x3FA5]  }
0x28: {  	s2 =	sld [smem:$0x3FA6]  }
0x29: {  	s4 =	sld [smem:$0x3FA8]  }
0x2a: {  	p0 =	seq.s32 s5, $0x0;
	s5 =	sld [smem:$0x3FA9]  }
0x2b: {  	s6 =	sld [smem:$0x3FAA]  }
0x2c: {  	s7 =	sld [smem:$0x3FAB]  }
0x2d: {  	s3 =	simm.s32 $0x108;
	s8 =	sld [smem:$0x3FAC]  }
0x2e: {  	s3 =	simm.s32 @!p0 $0x1082;
	s9 =	sld [smem:$0x3FAD]  }
0x2f: {  	lr =	sadd.s32 s0, s3;
	s0 =	sld [smem:$0x3FA4]  }
0x30: {  	s3 =	sld [smem:$0x3FA7]  }
0x31: {  	[smem:$0x3FB0] =	sst s10  }
0x32: {  	s10 =	sld [smem:$0x3FAE];
	_ =	sdelay $0x3  }
0x33: {  	p0 =	seq.s32 s10, $0x1;
	s10 =	sld [smem:$0x3FB0];
	_ =	sdelay $0x3  }
0x34: {  	[smem:$0x3FB0] =	sst s10  }
0x35: {  	s10 =	sld [smem:$0x3FAF];
	_ =	sdelay $0x3  }
0x36: {  	p1 =	seq.s32 s10, $0x1;
	s10 =	sld [smem:$0x3FB0];
	_ =	sdelay $0x3  }
0x37: {  	[smem:$0x3FB0] =	sst s10  }
0x38: {  	s10 =	sld [smem:$0x3FB1]  }
0x39: {  	_ = 	snop;
	(pc) =	sbr.ind lr, $3  }
0x3a: {  	_ = 	snop  }
0x3b: {  	_ = 	snop  }
0x3c: {  	p2 =	seq.s32 s10, $0x1;
	s10 =	sld [smem:$0x3FB0]  }
0x3d: {  	_ =	shalt  }
0x3e: {  	_ =	shalt  }
0x3f: {  	_ =	shalt  }
0x40: {  	_ =	shalt  }
0x41: {  	_ =	shalt  }
0x42: {  	_ =	shalt  }
0x43: {  	_ =	shalt  }
0x44: {  	_ =	shalt  }
0x45: {  	_ =	shalt  }
0x46: {  	_ =	shalt  }
0x47: {  	_ =	shalt  }
0x48: {  	_ =	shalt  }
0x49: {  	_ =	shalt  }
0x4a: {  	_ =	shalt  }
0x4b: {  	_ =	shalt  }
0x4c: {  	_ =	shalt  }
0x4d: {  	_ =	shalt  }
0x4e: {  	_ =	shalt  }
0x4f: {  	_ =	shalt  }
0x50: {  	_ =	shalt  }
0x51: {  	_ =	shalt  }
0x52: {  	_ =	shalt  }
0x53: {  	_ =	shalt  }
0x54: {  	_ =	shalt  }
0x55: {  	_ =	shalt  }
0x56: {  	_ =	shalt  }
0x57: {  	_ =	shalt  }
0x58: {  	_ =	shalt  }
0x59: {  	_ =	shalt  }
0x5a: {  	_ =	shalt  }
0x5b: {  	_ =	shalt  }
0x5c: {  	_ =	shalt  }
0x5d: {  	_ =	shalt  }
0x5e: {  	_ =	shalt  }
0x5f: {  	_ =	shalt  }
0x60: {  	_ =	shalt  }
0x61: {  	_ =	shalt  }
0x62: {  	_ =	shalt  }
0x63: {  	_ =	shalt  }
0x64: {  	_ =	shalt  }
0x65: {  	_ =	shalt  }
0x66: {  	_ =	shalt  }
0x67: {  	_ =	shalt  }
0x68: {  	_ =	shalt  }
0x69: {  	_ =	shalt  }
0x6a: {  	_ =	shalt  }
0x6b: {  	_ =	shalt  }
0x6c: {  	_ =	shalt  }
0x6d: {  	_ =	shalt  }
0x6e: {  	_ =	shalt  }
0x6f: {  	_ =	shalt  }
0x70: {  	_ =	shalt  }
0x71: {  	_ =	shalt  }
0x72: {  	_ =	shalt  }
0x73: {  	_ =	shalt  }
0x74: {  	_ =	shalt  }
0x75: {  	_ =	shalt  }
0x76: {  	_ =	shalt  }
0x77: {  	_ =	shalt  }
0x78: {  	_ =	shalt  }
0x79: {  	_ =	shalt  }
0x7a: {  	_ =	shalt  }
0x7b: {  	_ =	shalt  }
0x7c: {  	_ =	shalt  }
0x7d: {  	_ =	shalt  }
0x7e: {  	_ =	shalt  }
0x7f: {  	_ =	shalt  }
0x80: {  	_ =	shalt  }
0x81: {  	_ =	shalt  }
0x82: {  	_ =	shalt  }
0x83: {  	_ =	shalt  }
0x84: {  	_ =	shalt  }
0x85: {  	_ =	shalt  }
0x86: {  	_ =	shalt  }
0x87: {  	_ =	shalt  }
.Lfunc_end0:
.L_simem_size_0:
called_computation.2_lowered:
.L_overlay_start_0:
0x88: {  	s2 =	sld [smem:$0x3FD9]  }
0x89: {  	s3 =	sld [smem:$0x3FFE];
	_ =	sdelay $0x1  }
0x8a: {  	s1 =	srdreg.scid  }
0x8b: {  	s0 =	sand.u32 $0x1, s1  }
0x8c: {  	s16 =	sshll.u32 s0, $0xA;
	s2 =	sadd.s32 s3, s2  }
0x8d: {  	s2 =	sadd.s32 s2, s16  }
0x8e: {  	[smem:$0x3FBC] =	sst s2  }
0x8f: {  	_ = 	snop  }
0x90: {  	(tm) =	ssettm $0x1  }
0x91: {  	s17 =	sld [smem:$0x3FFB];
	_ =	sdelay $0x3  }
0x92: {  	_ =	strace s17  }
0x93: {  	s2 =	sld [smem:$0x3FFC];
	_ =	sdelay $0x3  }
0x94: {  	_ =	strace s2  }
0x95: {  	s2 =	sld [smem:$0x3FFD];
	_ =	sdelay $0x3  }
0x96: {  	_ =	strace s2  }
0x97: {  	_ =	strace $0x8FFFFFFF  }
0x98: {  	s18 =	sld [smem:$0x3FDB];
	_ =	sdelay $0x1  }
0x99: {  	s19 =	simm.s32 $_scs_section_size  }
0x9a: {  	s4 =	simm.s32 $_size__tile_overlayer_lowered;
	s5 =	simm.s32 $_tile_overlayer_lowered  }
0x9b: {  	s22 =	simm.s32 $0x1BFF;
	s21 =	sshll.u32 s5, $0x1;
	s2 =	sadd.s32 s19, s18  }
0x9c: {  	s6 =	simm.s32 $0x0;
	s20 =	sshll.u32 s4, $0x1;
	s4 =	sadd.s32 s21, s2  }
0x9d: {  	[timem:s6], [sflag:s22] =	dma.local [hbm:s4], s20  }
0x9e: {  	_ =	swait.ge [sflag:s22], s20  }
0x9f: {  	s3 =	ssub.s32 $0x0, s20;
	[sflag:s22] =	ssyncset.done $0x0  }
0xa0: {  	[sflag:s22] =	ssyncadd.s32 s3;
	_ =	sdelay $0x1  }
0xa1: {  	s23 =	simm.s32 $0x1B8B  }
0xa2: {  	_ =	swait.ge [sflag:s23], $0x1  }
0xa3: {  	[sflag:s23] =	ssyncset.done $0x0  }
0xa4: {  	s25 =	simm.s32 $0x1B8E;
	s24 =	sld [smem:$0x3FFE];
	[sflag:s23] =	ssyncadd.s32 $0xFFFFFFFF  }
0xa5: {  	s26 =	simm.s32 $execute0_lowered;
	[smem:$0x3FD2] =	sst s25  }
0xa6: {  	s4 =	sshll.u32 s26, $0x1;
	_ =	strace $0x8000004C;
	[dreg:$0x1] =	wrdreg $0xFFFFFFFF  }
0xa7: {  	s28 =	simm.s32 $_size_execute0_lowered;
	s2 =	sadd.s32 s2, s4;
	[dreg:$0x0] =	wrdreg $0x0  }
0xa8: {  	s4 =	sshll.u32 s28, $0x1;
	[dreg:$0x2] =	wrdreg s2  }
0xa9: {  	[dreg:$0x3] =	wrdreg s4  }
0xaa: {  	[dreg:$0x4] =	wrdreg $0xC0  }
0xab: {  	_ =	task [dreg:s6], $0x5FFFF  }
0xac: {  	[dreg:$0x1] =	wrdreg $0xFFFFFFFF  }
0xad: {  	[dreg:$0x0] =	wrdreg $0x60  }
0xae: {  	[dreg:$0x2] =	wrdreg s24  }
0xaf: {  	[dreg:$0x3] =	wrdreg $0xB0000  }
0xb0: {  	[dreg:$0x4] =	wrdreg $0x9  }
0xb1: {  	_ =	task.clear_ibuf [dreg:s6], $0x5FFFF;
	_ =	strace $0x9000004C  }
0xb2: {  	s29 =	simm.s32 $0x9;
	_ =	strace $0x8000004E  }
0xb3: {  	_ =	swait.ge [sflag:s29], $0x1  }
0xb4: {  	[sflag:s29] =	ssyncadd.s32 $0xFFFFFFFF  }
0xb5: {  	_ =	strace $0x9000004E  }
0xb6: {  	_ =	sfence  }
0xb7: {  	s30 =	sld [smem:$0x0];
	_ =	sdelay $0x2  }
0xb8: {  	s31 =	sshll.u32 s1, $0xD;
	s1 =	sshrl.u32 s1, $0x2  }
0xb9: {  	s3 =	sand.u32 $0x4000, s31;
	s1 =	sadd.s32 s1, s30  }
0xba: {  	s0 =	sor.u32 s3, s0;
	s1 =	sshll.u32 s1, $0x11  }
0xbb: {  	s0 =	sor.u32 s1, s0  }
0xbc: {  	s0 =	sadd.s32 $0x8F2B, s0  }
0xbd: {  	[sflag:s0] =	ssyncadd.remote.s32 $0x1  }
0xbe: {  	_ =	sfence.sel $0xFFFF  }
0xbf: {  	[dreg:$0x0] =	wrdreg $0xFFFFFFFF;
	(pc) =	sbr.abs _section_cstart, $3  }
0xc0: {  	[dreg:$0x1] =	wrdreg $0xFFFFFFFF  }
0xc1: {  	_ =	task.clear_ibuf [dreg:s6], $0x2FFFF;
	_ =	strace $0x9FFFFFFF  }
0xc2: {  	(tm) =	ssettm $0x7FFFFFFF  }
0xc3: {  	_ =	shalt  }
tec
execute0_lowered:
.L_overlay_start_1:
0x0: {  	(tag) =	ssettag $0x1  }
0x1: {  	s5 =	rddreg [dreg:$0x0]  }
0x2: {  	s0 =	srdreg.scid;
	s2 =	rddreg [dreg:$0x1];
	s3 =	simm.s32 $0x0  }
0x3: {  	s14 =	simm.s32 $0x80;
	s15 =	simm.s32 $0x7000;
	s16 =	simm.s32 $0x1  }
0x4: {  	s17 =	simm.s32 $0x0;
	s9 =	sand.u32 $0x1, s0;
	s0 =	stileid.u32  }
0x5: {  	[smem:$0x7FF] =	sst s3;
	s4 =	sadd.s32 $0x2AA00, s5;
	s7 =	smul.u32 $0x13C00, s0  }
0x6: {  	s1 =	sshll.u32 s9, $0x4;
	s8 =	smul.u32 $0x13C000, s9;
	s28 =	ssub.s32 $0x2, s9  }
0x7: {  	s11 =	smul.u32 $0x4F000, s0;
	s31 =	sshll.u32 s0, $0x6;
	s1 =	sor.u32 s0, s1  }
0x8: {  	p0 =	seq.s32 s9, $0x1;
	s29 =	sshrl.u32 s28, $0x1;
	s6 =	smul.u32 $0x700, s1  }
0x9: {  	s1 =	rddreg [dreg:$0x2];
	_ =	strace $0x8000004D;
	s26 =	sshrl.u32 s7, $0x3  }
0xa: {  	s7 =	sadd.s32 s7, s8;
	s13 =	ssub.s32 s28, s29;
	s30 =	sshrl.u32 s11, $0x2  }
.Ltmp0:
0xb: {  	s7 =	sshrl.u32 s7, $0x3;
	s11 =	sadd.s32 s30, s2;
	(pc) =	sbr.rel .LBB2_1-.Ltmp0, $4  }
0xc: {  	s10 =	sadd.s32 s6, s5;
	s6 =	sadd.s32 s26, s5;
	s12 =	sadd.s32 s7, s5  }
0xd: {  	s11 =	sshrl.u32 s11, $0x3;
	s5 =	sadd.s32 $0x3200, s6;
	s6 =	sor.u32 $0x1C02, s31  }
0xe: {  	s7 =	sadd.s32 $0x88200, s10;
	s8 =	sadd.s32 $0x7A200, s10;
	s9 =	sadd.s32 $0x96200, s12  }
0xf: {  	s10 =	smax.u32 s13, $0x1;
	s12 =	simm.s32 $0x2;
	s13 =	simm.s32 $0x3800  }
.LBB2_7:
0x10: {  	s18 =	sshra.s32 s18, $0x2;
	[sflag:s12] =	ssyncadd.s32 $0xFFFFC000  }
0x11: {  	[tilespmem:s15], [sflag:$0x1] =	stream.indirect.gather [hbm4b:s4+s14], $0x80, s18, s14, $0xb8;
	[tilespmem:$0x1EC00] =	vst v63  }
0x12: {  	_ =	swait.ge [sflag:s16], $0x4000  }
0x13: {  	[sflag:s16] =	ssyncset.done $0x0  }
0x14: {  	s18 =	sadd.s32 $0x3800, s18;
	[sflag:s16] =	ssyncadd.s32 $0xFFFFC000  }
0x15: {  	[spmem:s2] =	stream.indirect.scatter.add.f32 [tilespmem:s15], [sflag:$0x2], $0x80, s18, s14, $0xb8;
	[tilespmem:$0x1EC00] =	vst v63  }
0x16: {  	_ =	swait.ge [sflag:s12], $0x4000  }
0x17: {  	[sflag:s12] =	ssyncset.done $0x0  }
0x18: {  	[sflag:s12] =	ssyncadd.s32 $0xFFFFC000  }
.LBB2_8:
0x19: {  	s17 =	sadd.s32 $0x1, s17  }
0x1a: {  	p1 =	sne.s32 s17, s10  }
.Ltmp1:
0x1b: {  	[bflag:$0x0] =	sbarrier.arrive $0xFFFF;
	(pc) =	sbr.rel @!p1 .LBB2_9-.Ltmp1, $4  }
0x1c: {  	[hbm:s9], [sflag:s6] =	dma.local [spmem:s11], $0x2780  }
0x1d: {  	_ =	swait.ge [sflag:s12], $0x2780  }
0x1e: {  	[sflag:s12] =	ssyncset.done $0x0  }
0x1f: {  	[sflag:s12] =	ssyncadd.s32 $0xFFFFD880  }
.LBB2_1:
0x20: {  	[spmem:s11], [sflag:s6] =	dma.local [hbm:s5], $0x2780  }
0x21: {  	_ =	swait.ge [sflag:s12], $0x2780  }
0x22: {  	[sflag:s12] =	ssyncset.done $0x0  }
0x23: {  	[sflag:s12] =	ssyncadd.s32 $0xFFFFD880  }
0x24: {  	[tilespmem:s3], [sflag:$0x2] =	stream.linear.gather [hbm4b:s7+s3], $0x3480, $0x38;
	[tilespmem:$0x1EC00] =	vst v63  }
0x25: {  	_ =	swait.ge [sflag:s12], $0x3480  }
0x26: {  	[sflag:s12] =	ssyncset.done $0x0  }
0x27: {  	[sflag:s12] =	ssyncadd.s32 $0xFFFFCB80  }
0x28: {  	[tilespmem:s13], [sflag:$0x2] =	stream.linear.gather [hbm4b:s8+s3], $0x3480, $0x38;
	[tilespmem:$0x1EC00] =	vst v63  }
.Ltmp2:
0x29: {  	_ =	swait.ge [sflag:s12], $0x3480;
	(pc) =	sbr.rel @!p0 .LBB2_2-.Ltmp2, $4  }
0x2a: {  	[sflag:s12] =	ssyncset.done $0x0  }
0x2b: {  	[sflag:s12] =	ssyncadd.s32 $0xFFFFCB80  }
0x2c: {  	[bflag:$0x0] =	sbarrier.arrive $0xFFFF  }
0x2d: {  	s18 =	simm.s32 $0x0  }
0x2e: {  	[tilespmem:s15], [sflag:$0x1] =	stream.indirect.gather [hbm4b:s4+s14], $0x80, s18, s14, $0xb8;
	[tilespmem:$0x1EC00] =	vst v63  }
0x2f: {  	_ =	swait.ge [sflag:s16], $0x4000  }
0x30: {  	[sflag:s16] =	ssyncset.done $0x0  }
0x31: {  	s31 =	simm.s32 $0x3800;
	[sflag:s16] =	ssyncadd.s32 $0xFFFFC000  }
0x32: {  	[spmem:s2] =	stream.indirect.scatter.add.f32 [tilespmem:s15], [sflag:$0x2], $0x80, s31, s14, $0xb8;
	[tilespmem:$0x1EC00] =	vst v63  }
0x33: {  	_ =	swait.ge [sflag:s12], $0x4000  }
0x34: {  	s18 =	simm.s32 $0x200;
	s19 =	simm.s32 $0x400;
	[sflag:s12] =	ssyncset.done $0x0  }
.LBB2_6:
0x35: {  	s20 =	sshra.s32 s18, $0x2  }
0x36: {  	[sflag:s12] =	ssyncadd.s32 $0xFFFFC000;
	s18 =	smov.u32 s19;
	s21 =	sadd.s32 $0x200, s19  }
0x37: {  	[tilespmem:s15], [sflag:$0x1] =	stream.indirect.gather [hbm4b:s4+s14], $0x80, s20, s14, $0xb8;
	[tilespmem:$0x1EC00] =	vst v63  }
0x38: {  	p1 =	sne.s32 s19, $0x6800;
	_ =	swait.ge [sflag:s16], $0x4000  }
.Ltmp3:
0x39: {  	[sflag:s16] =	ssyncset.done $0x0;
	(pc) =	sbr.rel @p1 .LBB2_6-.Ltmp3, $4  }
0x3a: {  	s19 =	sadd.s32 $0x3800, s20;
	[sflag:s16] =	ssyncadd.s32 $0xFFFFC000  }
0x3b: {  	[spmem:s2] =	stream.indirect.scatter.add.f32 [tilespmem:s15], [sflag:$0x2], $0x80, s19, s14, $0xb8;
	[tilespmem:$0x1EC00] =	vst v63  }
0x3c: {  	_ =	swait.ge [sflag:s12], $0x4000  }
0x3d: {  	s19 =	smov.u32 s21;
	[sflag:s12] =	ssyncset.done $0x0  }
.Ltmp4:
0x3e: {  	_ = 	snop;
	(pc) =	sbr.rel .LBB2_7-.Ltmp4, $1  }
0x3f: {  	_ =	sdelay $0x3  }
.LBB2_2:
0x40: {  	[tilespmem:s15], [sflag:$0x1] =	stream.indirect.gather [hbm4b:s4+s14], $0x80, s18, s14, $0xb8;
	[tilespmem:$0x1EC00] =	vst v63  }
0x41: {  	_ =	swait.ge [sflag:s16], $0x4000  }
0x42: {  	[sflag:s16] =	ssyncset.done $0x0  }
0x43: {  	s31 =	simm.s32 $0x3800;
	[sflag:s16] =	ssyncadd.s32 $0xFFFFC000  }
0x44: {  	[spmem:s2] =	stream.indirect.scatter.add.f32 [tilespmem:s15], [sflag:$0x2], $0x80, s31, s14, $0xb8;
	[tilespmem:$0x1EC00] =	vst v63  }
0x45: {  	_ =	swait.ge [sflag:s12], $0x4000  }
0x46: {  	s18 =	simm.s32 $0x200;
	s19 =	simm.s32 $0x400;
	[sflag:s12] =	ssyncset.done $0x0  }
.LBB2_3:
0x47: {  	s20 =	sshra.s32 s18, $0x2  }
0x48: {  	[sflag:s12] =	ssyncadd.s32 $0xFFFFC000;
	s18 =	smov.u32 s19;
	s21 =	sadd.s32 $0x200, s19  }
0x49: {  	[tilespmem:s15], [sflag:$0x1] =	stream.indirect.gather [hbm4b:s4+s14], $0x80, s20, s14, $0xb8;
	[tilespmem:$0x1EC00] =	vst v63  }
0x4a: {  	p1 =	seq.s32 s19, $0xD000;
	_ =	swait.ge [sflag:s16], $0x4000  }
.Ltmp5:
0x4b: {  	[sflag:s16] =	ssyncset.done $0x0;
	(pc) =	sbr.rel @!p1 .LBB2_3-.Ltmp5, $4  }
0x4c: {  	s19 =	sadd.s32 $0x3800, s20;
	[sflag:s16] =	ssyncadd.s32 $0xFFFFC000  }
0x4d: {  	[spmem:s2] =	stream.indirect.scatter.add.f32 [tilespmem:s15], [sflag:$0x2], $0x80, s19, s14, $0xb8;
	[tilespmem:$0x1EC00] =	vst v63  }
0x4e: {  	_ =	swait.ge [sflag:s12], $0x4000  }
0x4f: {  	s19 =	smov.u32 s21;
	[sflag:s12] =	ssyncset.done $0x0  }
0x50: {  	s18 =	sshra.s32 s18, $0x2;
	[sflag:s12] =	ssyncadd.s32 $0xFFFFC000  }
0x51: {  	[tilespmem:s15], [sflag:$0x1] =	stream.indirect.gather [hbm4b:s4+s14], $0x80, s18, s14, $0xb8;
	[tilespmem:$0x1EC00] =	vst v63  }
0x52: {  	_ =	swait.ge [sflag:s16], $0x4000  }
0x53: {  	[sflag:s16] =	ssyncset.done $0x0  }
.Ltmp6:
0x54: {  	s18 =	sadd.s32 $0x3800, s18;
	[sflag:s16] =	ssyncadd.s32 $0xFFFFC000;
	(pc) =	sbr.rel .LBB2_8-.Ltmp6, $4  }
0x55: {  	[spmem:s2] =	stream.indirect.scatter.add.f32 [tilespmem:s15], [sflag:$0x2], $0x80, s18, s14, $0xb8;
	[tilespmem:$0x1EC00] =	vst v63  }
0x56: {  	_ =	swait.ge [sflag:s12], $0x4000  }
0x57: {  	[sflag:s12] =	ssyncset.done $0x0  }
0x58: {  	[sflag:s12] =	ssyncadd.s32 $0xFFFFC000  }
.LBB2_9:
0x59: {  	_ =	sfence.sel $0x180000  }
0x5a: {  	[bflag:$0x0] =	sbarrier.arrive $0xFFFF  }
0x5b: {  	p0 =	sne.s32 s0, $0x0;
	_ =	strace $0x9000004D  }
0x5c: {  	s0 =	sadd.s32 @!p0 $0x100000, s1;
	[bflag:$0x2] =	sbarrier.arrive $0xFFFF  }
0x5d: {  	[sflag:s0] =	ssyncadd.tile.s32 @!p0 $0x1;
	_ =	shalt  }
.Lfunc_end2:
_tile_overlayer_lowered:
.L_overlay_start_2:
0x5e: {  	(tag) =	ssettag $0x2  }
0x5f: {  	s0 =	rddreg [dreg:$0x0];
	s2 =	stileid.u32  }
0x60: {  	s1 =	rddreg [dreg:$0x1];
	p0 =	sne.s32 s2, $0x0  }
0x61: {  	s3 =	rddreg [dreg:$0x2];
	[bflag:$0x3] =	sbarrier.arrive $0xFFFF;
	s2 =	simm.s32 @!p0 $0x1C02  }
0x62: {  	[timem:s3], [sflag:s2] =	dma.local @!p0 [hbm:s0], s1  }
0x63: {  	s0 =	simm.s32 @!p0 $0x2  }
0x64: {  	_ =	swait.ge @!p0 [sflag:s0], s1  }
0x65: {  	s1 =	ssub.s32 @!p0 $0x0, s1;
	[sflag:s0] =	ssyncset.done @!p0 $0x0  }
0x66: {  	[sflag:s0] =	ssyncadd.s32 @!p0 s1  }
0x67: {  	[bflag:$0x3] =	sbarrier.arrive $0xFFFF  }
0x68: {  	_ =	shalt  }

// kernel: kernel.19.cloned.1.call-start
scs
__scs_entry_jumppad:
0x0: {  	(pc) =	sbr.rel $0x88, $3  }
0x1: {  	(tag) =	ssettag $0x0;
	lr =	simm.s32 $0x1  }
0x2: {  	[smem:$0x3F95] =	sst lr;
	_ =	strace $0xD0000000  }
0x3: {  	_ = 	snop  }
0x4: {  	_ = 	snop  }
0x5: {  	_ = 	snop  }
0x6: {  	_ = 	snop  }
0x7: {  	_ = 	snop  }
__scs_overlays_trampoline_lowered:
0x8: {  	[smem:$0x3FA4] =	sst s0  }
0x9: {  	[smem:$0x3FA5] =	sst s1  }
0xa: {  	[smem:$0x3FA6] =	sst s2  }
0xb: {  	[smem:$0x3FA7] =	sst s3  }
0xc: {  	[smem:$0x3FA8] =	sst s4  }
0xd: {  	[smem:$0x3FA9] =	sst s5  }
0xe: {  	[smem:$0x3FAA] =	sst s6  }
0xf: {  	[smem:$0x3FAB] =	sst s7  }
0x10: {  	[smem:$0x3FAC] =	sst s8  }
0x11: {  	[smem:$0x3FAD] =	sst s9;
	s0 =	simm.s32 @!p0 $0x0  }
0x12: {  	s1 =	sld [smem:$0x3F93];
	s0 =	simm.s32 @p0 $0x1  }
0x13: {  	[smem:$0x3FAE] =	sst s0;
	s0 =	simm.s32 @!p1 $0x0  }
0x14: {  	s2 =	sld [smem:$0x3F92];
	s0 =	simm.s32 @p1 $0x1  }
0x15: {  	[smem:$0x3FAF] =	sst s0;
	s0 =	simm.s32 @!p2 $0x0  }
0x16: {  	s3 =	sld [smem:$0x3FDB];
	s0 =	simm.s32 @p2 $0x1  }
0x17: {  	s4 =	simm.s32 $0x1BF5;
	[smem:$0x3FB1] =	sst s0  }
0x18: {  	s0 =	sld [smem:$0x3F94];
	_ =	swait.ge [sflag:s4], $0x0  }
0x19: {  	s7 =	sld [smem:$0x3F95]  }
0x1a: {  	s8 =	sadd.s32 $0xFFFFE003, lr  }
0x1b: {  	s9 =	sadd.s32 $0xFFFFFEF7, lr;
	s5 =	simm.s32 $0xFFFFFFFF;
	p2 =	slt.u32 s8, $0xFFFFF086  }
0x1c: {  	p1 =	slt.u32 s9, $0xF7A;
	s5 =	simm.s32 @!p2 $0x0  }
0x1d: {  	s5 =	simm.s32 @p1 $0x1;
	p0 =	seq.s32 s7, s2  }
0x1e: {  	s7 =	smul.u32 @!p0 $0xF7A, s2;
	p2 =	seq.s32 @!p0 s5, $0x0  }
0x1f: {  	s9 =	smul.u32 $0xF7A, s1;
	s8 =	simm.s32 @!p0 $0x1BF5;
	p2 =	por !p2, p0  }
0x20: {  	[sflag:s8] =	ssyncset.s32 @!p0 $0xFFFFF086;
	s6 =	sadd.s32 @!p0 s3, s7;
	s7 =	simm.s32 @!p0 $0x108  }
0x21: {  	s3 =	sadd.s32 s3, s9;
	s6 =	sadd.s32 @!p0 $0x88, s6;
	s7 =	simm.s32 @p2 $0x1082  }
0x22: {  	[simem:s7], [sflag:s8] =	dma.local @!p0 [hbm:s6], $0xF7A  }
0x23: {  	s9 =	sor.u32 $0xD0000000, s2;
	s6 =	simm.s32 $0x108;
	_ =	swait.ge @!p0 [sflag:s8], $0x0  }
0x24: {  	s3 =	sadd.s32 $0x88, s3;
	s6 =	simm.s32 @!p1 $0x1082;
	[sflag:s4] =	ssyncset.s32 $0xFFFFF086  }
0x25: {  	[simem:s6], [sflag:s4] =	dma.local [hbm:s3], $0xF7A  }
0x26: {  	[smem:$0x3F95] =	sst s1;
	(tag) =	ssettag s2;
	_ =	strace s9  }
0x27: {  	s1 =	sld [smem:$0x3FA5]  }
0x28: {  	s2 =	sld [smem:$0x3FA6]  }
0x29: {  	s4 =	sld [smem:$0x3FA8]  }
0x2a: {  	p0 =	seq.s32 s5, $0x0;
	s5 =	sld [smem:$0x3FA9]  }
0x2b: {  	s6 =	sld [smem:$0x3FAA]  }
0x2c: {  	s7 =	sld [smem:$0x3FAB]  }
0x2d: {  	s3 =	simm.s32 $0x108;
	s8 =	sld [smem:$0x3FAC]  }
0x2e: {  	s3 =	simm.s32 @!p0 $0x1082;
	s9 =	sld [smem:$0x3FAD]  }
0x2f: {  	lr =	sadd.s32 s0, s3;
	s0 =	sld [smem:$0x3FA4]  }
0x30: {  	s3 =	sld [smem:$0x3FA7]  }
0x31: {  	[smem:$0x3FB0] =	sst s10  }
0x32: {  	s10 =	sld [smem:$0x3FAE];
	_ =	sdelay $0x3  }
0x33: {  	p0 =	seq.s32 s10, $0x1;
	s10 =	sld [smem:$0x3FB0];
	_ =	sdelay $0x3  }
0x34: {  	[smem:$0x3FB0] =	sst s10  }
0x35: {  	s10 =	sld [smem:$0x3FAF];
	_ =	sdelay $0x3  }
0x36: {  	p1 =	seq.s32 s10, $0x1;
	s10 =	sld [smem:$0x3FB0];
	_ =	sdelay $0x3  }
0x37: {  	[smem:$0x3FB0] =	sst s10  }
0x38: {  	s10 =	sld [smem:$0x3FB1]  }
0x39: {  	_ = 	snop;
	(pc) =	sbr.ind lr, $3  }
0x3a: {  	_ = 	snop  }
0x3b: {  	_ = 	snop  }
0x3c: {  	p2 =	seq.s32 s10, $0x1;
	s10 =	sld [smem:$0x3FB0]  }
0x3d: {  	_ =	shalt  }
0x3e: {  	_ =	shalt  }
0x3f: {  	_ =	shalt  }
0x40: {  	_ =	shalt  }
0x41: {  	_ =	shalt  }
0x42: {  	_ =	shalt  }
0x43: {  	_ =	shalt  }
0x44: {  	_ =	shalt  }
0x45: {  	_ =	shalt  }
0x46: {  	_ =	shalt  }
0x47: {  	_ =	shalt  }
0x48: {  	_ =	shalt  }
0x49: {  	_ =	shalt  }
0x4a: {  	_ =	shalt  }
0x4b: {  	_ =	shalt  }
0x4c: {  	_ =	shalt  }
0x4d: {  	_ =	shalt  }
0x4e: {  	_ =	shalt  }
0x4f: {  	_ =	shalt  }
0x50: {  	_ =	shalt  }
0x51: {  	_ =	shalt  }
0x52: {  	_ =	shalt  }
0x53: {  	_ =	shalt  }
0x54: {  	_ =	shalt  }
0x55: {  	_ =	shalt  }
0x56: {  	_ =	shalt  }
0x57: {  	_ =	shalt  }
0x58: {  	_ =	shalt  }
0x59: {  	_ =	shalt  }
0x5a: {  	_ =	shalt  }
0x5b: {  	_ =	shalt  }
0x5c: {  	_ =	shalt  }
0x5d: {  	_ =	shalt  }
0x5e: {  	_ =	shalt  }
0x5f: {  	_ =	shalt  }
0x60: {  	_ =	shalt  }
0x61: {  	_ =	shalt  }
0x62: {  	_ =	shalt  }
0x63: {  	_ =	shalt  }
0x64: {  	_ =	shalt  }
0x65: {  	_ =	shalt  }
0x66: {  	_ =	shalt  }
0x67: {  	_ =	shalt  }
0x68: {  	_ =	shalt  }
0x69: {  	_ =	shalt  }
0x6a: {  	_ =	shalt  }
0x6b: {  	_ =	shalt  }
0x6c: {  	_ =	shalt  }
0x6d: {  	_ =	shalt  }
0x6e: {  	_ =	shalt  }
0x6f: {  	_ =	shalt  }
0x70: {  	_ =	shalt  }
0x71: {  	_ =	shalt  }
0x72: {  	_ =	shalt  }
0x73: {  	_ =	shalt  }
0x74: {  	_ =	shalt  }
0x75: {  	_ =	shalt  }
0x76: {  	_ =	shalt  }
0x77: {  	_ =	shalt  }
0x78: {  	_ =	shalt  }
0x79: {  	_ =	shalt  }
0x7a: {  	_ =	shalt  }
0x7b: {  	_ =	shalt  }
0x7c: {  	_ =	shalt  }
0x7d: {  	_ =	shalt  }
0x7e: {  	_ =	shalt  }
0x7f: {  	_ =	shalt  }
0x80: {  	_ =	shalt  }
0x81: {  	_ =	shalt  }
0x82: {  	_ =	shalt  }
0x83: {  	_ =	shalt  }
0x84: {  	_ =	shalt  }
0x85: {  	_ =	shalt  }
0x86: {  	_ =	shalt  }
0x87: {  	_ =	shalt  }
.Lfunc_end0:
.L_simem_size_0:
called_computation.3_lowered:
.L_overlay_start_0:
0x88: {  	s2 =	sld [smem:$0x3FD9]  }
0x89: {  	s3 =	sld [smem:$0x3FFE];
	_ =	sdelay $0x1  }
0x8a: {  	s1 =	srdreg.scid  }
0x8b: {  	s0 =	sand.u32 $0x1, s1  }
0x8c: {  	s16 =	sshll.u32 s0, $0xA;
	s2 =	sadd.s32 s3, s2  }
0x8d: {  	s2 =	sadd.s32 s2, s16  }
0x8e: {  	[smem:$0x3FBC] =	sst s2  }
0x8f: {  	_ = 	snop  }
0x90: {  	(tm) =	ssettm $0x1  }
0x91: {  	s17 =	sld [smem:$0x3FFB];
	_ =	sdelay $0x3  }
0x92: {  	_ =	strace s17  }
0x93: {  	s2 =	sld [smem:$0x3FFC];
	_ =	sdelay $0x3  }
0x94: {  	_ =	strace s2  }
0x95: {  	s2 =	sld [smem:$0x3FFD];
	_ =	sdelay $0x3  }
0x96: {  	_ =	strace s2  }
0x97: {  	_ =	strace $0x8FFFFFFF  }
0x98: {  	s18 =	sld [smem:$0x3FDB];
	_ =	sdelay $0x1  }
0x99: {  	s19 =	simm.s32 $_scs_section_size  }
0x9a: {  	s4 =	simm.s32 $_size__tile_overlayer_lowered;
	s5 =	simm.s32 $_tile_overlayer_lowered  }
0x9b: {  	s22 =	simm.s32 $0x1BFF;
	s21 =	sshll.u32 s5, $0x1;
	s2 =	sadd.s32 s19, s18  }
0x9c: {  	s6 =	simm.s32 $0x0;
	s20 =	sshll.u32 s4, $0x1;
	s4 =	sadd.s32 s21, s2  }
0x9d: {  	[timem:s6], [sflag:s22] =	dma.local [hbm:s4], s20  }
0x9e: {  	_ =	swait.ge [sflag:s22], s20  }
0x9f: {  	s3 =	ssub.s32 $0x0, s20;
	[sflag:s22] =	ssyncset.done $0x0  }
0xa0: {  	[sflag:s22] =	ssyncadd.s32 s3;
	_ =	sdelay $0x1  }
0xa1: {  	s23 =	simm.s32 $0x1B8B  }
0xa2: {  	_ =	swait.ge [sflag:s23], $0x1  }
0xa3: {  	[sflag:s23] =	ssyncset.done $0x0  }
0xa4: {  	s25 =	simm.s32 $0x1B8E;
	s24 =	sld [smem:$0x3FFE];
	[sflag:s23] =	ssyncadd.s32 $0xFFFFFFFF  }
0xa5: {  	s26 =	simm.s32 $execute0_lowered;
	[smem:$0x3FD2] =	sst s25  }
0xa6: {  	s4 =	sshll.u32 s26, $0x1;
	_ =	strace $0x8000004F;
	[dreg:$0x1] =	wrdreg $0xFFFFFFFF  }
0xa7: {  	s28 =	simm.s32 $_size_execute0_lowered;
	s2 =	sadd.s32 s2, s4;
	[dreg:$0x0] =	wrdreg $0x0  }
0xa8: {  	s4 =	sshll.u32 s28, $0x1;
	[dreg:$0x2] =	wrdreg s2  }
0xa9: {  	[dreg:$0x3] =	wrdreg s4  }
0xaa: {  	[dreg:$0x4] =	wrdreg $0xC0  }
0xab: {  	_ =	task [dreg:s6], $0x5FFFF  }
0xac: {  	[dreg:$0x1] =	wrdreg $0xFFFFFFFF  }
0xad: {  	[dreg:$0x0] =	wrdreg $0x60  }
0xae: {  	[dreg:$0x2] =	wrdreg s24  }
0xaf: {  	[dreg:$0x3] =	wrdreg $0xB0000  }
0xb0: {  	[dreg:$0x4] =	wrdreg $0x9  }
0xb1: {  	_ =	task.clear_ibuf [dreg:s6], $0x5FFFF;
	_ =	strace $0x9000004F  }
0xb2: {  	s29 =	simm.s32 $0x9;
	_ =	strace $0x80000051  }
0xb3: {  	_ =	swait.ge [sflag:s29], $0x1  }
0xb4: {  	[sflag:s29] =	ssyncadd.s32 $0xFFFFFFFF  }
0xb5: {  	_ =	strace $0x90000051  }
0xb6: {  	_ =	sfence  }
0xb7: {  	s30 =	sld [smem:$0x0];
	_ =	sdelay $0x2  }
0xb8: {  	s31 =	sshll.u32 s1, $0xD;
	s1 =	sshrl.u32 s1, $0x2  }
0xb9: {  	s3 =	sand.u32 $0x4000, s31;
	s1 =	sadd.s32 s1, s30  }
0xba: {  	s0 =	sor.u32 s3, s0;
	s1 =	sshll.u32 s1, $0x11  }
0xbb: {  	s0 =	sor.u32 s1, s0  }
0xbc: {  	s0 =	sadd.s32 $0x8F2B, s0  }
0xbd: {  	[sflag:s0] =	ssyncadd.remote.s32 $0x1  }
0xbe: {  	_ =	sfence.sel $0xFFFF  }
0xbf: {  	[dreg:$0x0] =	wrdreg $0xFFFFFFFF;
	(pc) =	sbr.abs _section_cstart, $3  }
0xc0: {  	[dreg:$0x1] =	wrdreg $0xFFFFFFFF  }
0xc1: {  	_ =	task.clear_ibuf [dreg:s6], $0x2FFFF;
	_ =	strace $0x9FFFFFFF  }
0xc2: {  	(tm) =	ssettm $0x7FFFFFFF  }
0xc3: {  	_ =	shalt  }
tec
execute0_lowered:
.L_overlay_start_1:
0x0: {  	(tag) =	ssettag $0x1  }
0x1: {  	s5 =	rddreg [dreg:$0x0]  }
0x2: {  	s0 =	srdreg.scid;
	s2 =	rddreg [dreg:$0x1];
	s3 =	simm.s32 $0x0  }
0x3: {  	s14 =	simm.s32 $0x80;
	s15 =	simm.s32 $0x7000;
	s16 =	simm.s32 $0x1  }
0x4: {  	s17 =	simm.s32 $0x0;
	s9 =	sand.u32 $0x1, s0;
	s0 =	stileid.u32  }
0x5: {  	[smem:$0x7FF] =	sst s3;
	s4 =	sadd.s32 $0x2AA00, s5;
	s7 =	smul.u32 $0x13C00, s0  }
0x6: {  	s1 =	sshll.u32 s9, $0x4;
	s8 =	smul.u32 $0x13C000, s9;
	s28 =	ssub.s32 $0x2, s9  }
0x7: {  	s11 =	smul.u32 $0x4F000, s0;
	s31 =	sshll.u32 s0, $0x6;
	s1 =	sor.u32 s0, s1  }
0x8: {  	p0 =	seq.s32 s9, $0x1;
	s29 =	sshrl.u32 s28, $0x1;
	s6 =	smul.u32 $0x700, s1  }
0x9: {  	s1 =	rddreg [dreg:$0x2];
	_ =	strace $0x80000050;
	s26 =	sshrl.u32 s7, $0x3  }
0xa: {  	s7 =	sadd.s32 s7, s8;
	s13 =	ssub.s32 s28, s29;
	s30 =	sshrl.u32 s11, $0x2  }
.Ltmp0:
0xb: {  	s7 =	sshrl.u32 s7, $0x3;
	s11 =	sadd.s32 s30, s2;
	(pc) =	sbr.rel .LBB2_1-.Ltmp0, $4  }
0xc: {  	s10 =	sadd.s32 s6, s5;
	s6 =	sadd.s32 s26, s5;
	s12 =	sadd.s32 s7, s5  }
0xd: {  	s11 =	sshrl.u32 s11, $0x3;
	s5 =	sadd.s32 $0x3200, s6;
	s6 =	sor.u32 $0x1C02, s31  }
0xe: {  	s7 =	sadd.s32 $0x88200, s10;
	s8 =	sadd.s32 $0x7A200, s10;
	s9 =	sadd.s32 $0x96200, s12  }
0xf: {  	s10 =	smax.u32 s13, $0x1;
	s12 =	simm.s32 $0x2;
	s13 =	simm.s32 $0x3800  }
.LBB2_7:
0x10: {  	s18 =	sshra.s32 s18, $0x2;
	[sflag:s12] =	ssyncadd.s32 $0xFFFFC000  }
0x11: {  	[tilespmem:s15], [sflag:$0x1] =	stream.indirect.gather [hbm4b:s4+s14], $0x80, s18, s14, $0xb8;
	[tilespmem:$0x1EC00] =	vst v63  }
0x12: {  	_ =	swait.ge [sflag:s16], $0x4000  }
0x13: {  	[sflag:s16] =	ssyncset.done $0x0  }
0x14: {  	s18 =	sadd.s32 $0x3800, s18;
	[sflag:s16] =	ssyncadd.s32 $0xFFFFC000  }
0x15: {  	[spmem:s2] =	stream.indirect.scatter.add.f32 [tilespmem:s15], [sflag:$0x2], $0x80, s18, s14, $0xb8;
	[tilespmem:$0x1EC00] =	vst v63  }
0x16: {  	_ =	swait.ge [sflag:s12], $0x4000  }
0x17: {  	[sflag:s12] =	ssyncset.done $0x0  }
0x18: {  	[sflag:s12] =	ssyncadd.s32 $0xFFFFC000  }
.LBB2_8:
0x19: {  	s17 =	sadd.s32 $0x1, s17  }
0x1a: {  	p1 =	sne.s32 s17, s10  }
.Ltmp1:
0x1b: {  	[bflag:$0x0] =	sbarrier.arrive $0xFFFF;
	(pc) =	sbr.rel @!p1 .LBB2_9-.Ltmp1, $4  }
0x1c: {  	[hbm:s9], [sflag:s6] =	dma.local [spmem:s11], $0x2780  }
0x1d: {  	_ =	swait.ge [sflag:s12], $0x2780  }
0x1e: {  	[sflag:s12] =	ssyncset.done $0x0  }
0x1f: {  	[sflag:s12] =	ssyncadd.s32 $0xFFFFD880  }
.LBB2_1:
0x20: {  	[spmem:s11], [sflag:s6] =	dma.local [hbm:s5], $0x2780  }
0x21: {  	_ =	swait.ge [sflag:s12], $0x2780  }
0x22: {  	[sflag:s12] =	ssyncset.done $0x0  }
0x23: {  	[sflag:s12] =	ssyncadd.s32 $0xFFFFD880  }
0x24: {  	[tilespmem:s3], [sflag:$0x2] =	stream.linear.gather [hbm4b:s7+s3], $0x3480, $0x38;
	[tilespmem:$0x1EC00] =	vst v63  }
0x25: {  	_ =	swait.ge [sflag:s12], $0x3480  }
0x26: {  	[sflag:s12] =	ssyncset.done $0x0  }
0x27: {  	[sflag:s12] =	ssyncadd.s32 $0xFFFFCB80  }
0x28: {  	[tilespmem:s13], [sflag:$0x2] =	stream.linear.gather [hbm4b:s8+s3], $0x3480, $0x38;
	[tilespmem:$0x1EC00] =	vst v63  }
.Ltmp2:
0x29: {  	_ =	swait.ge [sflag:s12], $0x3480;
	(pc) =	sbr.rel @!p0 .LBB2_2-.Ltmp2, $4  }
0x2a: {  	[sflag:s12] =	ssyncset.done $0x0  }
0x2b: {  	[sflag:s12] =	ssyncadd.s32 $0xFFFFCB80  }
0x2c: {  	[bflag:$0x0] =	sbarrier.arrive $0xFFFF  }
0x2d: {  	s18 =	simm.s32 $0x0  }
0x2e: {  	[tilespmem:s15], [sflag:$0x1] =	stream.indirect.gather [hbm4b:s4+s14], $0x80, s18, s14, $0xb8;
	[tilespmem:$0x1EC00] =	vst v63  }
0x2f: {  	_ =	swait.ge [sflag:s16], $0x4000  }
0x30: {  	[sflag:s16] =	ssyncset.done $0x0  }
0x31: {  	s31 =	simm.s32 $0x3800;
	[sflag:s16] =	ssyncadd.s32 $0xFFFFC000  }
0x32: {  	[spmem:s2] =	stream.indirect.scatter.add.f32 [tilespmem:s15], [sflag:$0x2], $0x80, s31, s14, $0xb8;
	[tilespmem:$0x1EC00] =	vst v63  }
0x33: {  	_ =	swait.ge [sflag:s12], $0x4000  }
0x34: {  	s18 =	simm.s32 $0x200;
	s19 =	simm.s32 $0x400;
	[sflag:s12] =	ssyncset.done $0x0  }
.LBB2_6:
0x35: {  	s20 =	sshra.s32 s18, $0x2  }
0x36: {  	[sflag:s12] =	ssyncadd.s32 $0xFFFFC000;
	s18 =	smov.u32 s19;
	s21 =	sadd.s32 $0x200, s19  }
0x37: {  	[tilespmem:s15], [sflag:$0x1] =	stream.indirect.gather [hbm4b:s4+s14], $0x80, s20, s14, $0xb8;
	[tilespmem:$0x1EC00] =	vst v63  }
0x38: {  	p1 =	sne.s32 s19, $0x6800;
	_ =	swait.ge [sflag:s16], $0x4000  }
.Ltmp3:
0x39: {  	[sflag:s16] =	ssyncset.done $0x0;
	(pc) =	sbr.rel @p1 .LBB2_6-.Ltmp3, $4  }
0x3a: {  	s19 =	sadd.s32 $0x3800, s20;
	[sflag:s16] =	ssyncadd.s32 $0xFFFFC000  }
0x3b: {  	[spmem:s2] =	stream.indirect.scatter.add.f32 [tilespmem:s15], [sflag:$0x2], $0x80, s19, s14, $0xb8;
	[tilespmem:$0x1EC00] =	vst v63  }
0x3c: {  	_ =	swait.ge [sflag:s12], $0x4000  }
0x3d: {  	s19 =	smov.u32 s21;
	[sflag:s12] =	ssyncset.done $0x0  }
.Ltmp4:
0x3e: {  	_ = 	snop;
	(pc) =	sbr.rel .LBB2_7-.Ltmp4, $1  }
0x3f: {  	_ =	sdelay $0x3  }
.LBB2_2:
0x40: {  	[tilespmem:s15], [sflag:$0x1] =	stream.indirect.gather [hbm4b:s4+s14], $0x80, s18, s14, $0xb8;
	[tilespmem:$0x1EC00] =	vst v63  }
0x41: {  	_ =	swait.ge [sflag:s16], $0x4000  }
0x42: {  	[sflag:s16] =	ssyncset.done $0x0  }
0x43: {  	s31 =	simm.s32 $0x3800;
	[sflag:s16] =	ssyncadd.s32 $0xFFFFC000  }
0x44: {  	[spmem:s2] =	stream.indirect.scatter.add.f32 [tilespmem:s15], [sflag:$0x2], $0x80, s31, s14, $0xb8;
	[tilespmem:$0x1EC00] =	vst v63  }
0x45: {  	_ =	swait.ge [sflag:s12], $0x4000  }
0x46: {  	s18 =	simm.s32 $0x200;
	s19 =	simm.s32 $0x400;
	[sflag:s12] =	ssyncset.done $0x0  }
.LBB2_3:
0x47: {  	s20 =	sshra.s32 s18, $0x2  }
0x48: {  	[sflag:s12] =	ssyncadd.s32 $0xFFFFC000;
	s18 =	smov.u32 s19;
	s21 =	sadd.s32 $0x200, s19  }
0x49: {  	[tilespmem:s15], [sflag:$0x1] =	stream.indirect.gather [hbm4b:s4+s14], $0x80, s20, s14, $0xb8;
	[tilespmem:$0x1EC00] =	vst v63  }
0x4a: {  	p1 =	seq.s32 s19, $0xD000;
	_ =	swait.ge [sflag:s16], $0x4000  }
.Ltmp5:
0x4b: {  	[sflag:s16] =	ssyncset.done $0x0;
	(pc) =	sbr.rel @!p1 .LBB2_3-.Ltmp5, $4  }
0x4c: {  	s19 =	sadd.s32 $0x3800, s20;
	[sflag:s16] =	ssyncadd.s32 $0xFFFFC000  }
0x4d: {  	[spmem:s2] =	stream.indirect.scatter.add.f32 [tilespmem:s15], [sflag:$0x2], $0x80, s19, s14, $0xb8;
	[tilespmem:$0x1EC00] =	vst v63  }
0x4e: {  	_ =	swait.ge [sflag:s12], $0x4000  }
0x4f: {  	s19 =	smov.u32 s21;
	[sflag:s12] =	ssyncset.done $0x0  }
0x50: {  	s18 =	sshra.s32 s18, $0x2;
	[sflag:s12] =	ssyncadd.s32 $0xFFFFC000  }
0x51: {  	[tilespmem:s15], [sflag:$0x1] =	stream.indirect.gather [hbm4b:s4+s14], $0x80, s18, s14, $0xb8;
	[tilespmem:$0x1EC00] =	vst v63  }
0x52: {  	_ =	swait.ge [sflag:s16], $0x4000  }
0x53: {  	[sflag:s16] =	ssyncset.done $0x0  }
.Ltmp6:
0x54: {  	s18 =	sadd.s32 $0x3800, s18;
	[sflag:s16] =	ssyncadd.s32 $0xFFFFC000;
	(pc) =	sbr.rel .LBB2_8-.Ltmp6, $4  }
0x55: {  	[spmem:s2] =	stream.indirect.scatter.add.f32 [tilespmem:s15], [sflag:$0x2], $0x80, s18, s14, $0xb8;
	[tilespmem:$0x1EC00] =	vst v63  }
0x56: {  	_ =	swait.ge [sflag:s12], $0x4000  }
0x57: {  	[sflag:s12] =	ssyncset.done $0x0  }
0x58: {  	[sflag:s12] =	ssyncadd.s32 $0xFFFFC000  }
.LBB2_9:
0x59: {  	_ =	sfence.sel $0x180000  }
0x5a: {  	[bflag:$0x0] =	sbarrier.arrive $0xFFFF  }
0x5b: {  	p0 =	sne.s32 s0, $0x0;
	_ =	strace $0x90000050  }
0x5c: {  	s0 =	sadd.s32 @!p0 $0x100000, s1;
	[bflag:$0x2] =	sbarrier.arrive $0xFFFF  }
0x5d: {  	[sflag:s0] =	ssyncadd.tile.s32 @!p0 $0x1;
	_ =	shalt  }
.Lfunc_end2:
_tile_overlayer_lowered:
.L_overlay_start_2:
0x5e: {  	(tag) =	ssettag $0x2  }
0x5f: {  	s0 =	rddreg [dreg:$0x0];
	s2 =	stileid.u32  }
0x60: {  	s1 =	rddreg [dreg:$0x1];
	p0 =	sne.s32 s2, $0x0  }
0x61: {  	s3 =	rddreg [dreg:$0x2];
	[bflag:$0x3] =	sbarrier.arrive $0xFFFF;
	s2 =	simm.s32 @!p0 $0x1C02  }
0x62: {  	[timem:s3], [sflag:s2] =	dma.local @!p0 [hbm:s0], s1  }
0x63: {  	s0 =	simm.s32 @!p0 $0x2  }
0x64: {  	_ =	swait.ge @!p0 [sflag:s0], s1  }
0x65: {  	s1 =	ssub.s32 @!p0 $0x0, s1;
	[sflag:s0] =	ssyncset.done @!p0 $0x0  }
0x66: {  	[sflag:s0] =	ssyncadd.s32 @!p0 s1  }
0x67: {  	[bflag:$0x3] =	sbarrier.arrive $0xFFFF  }
0x68: {  	_ =	shalt  }

</sc_bundles>
